<compile_context>
chip_gen: v7x
topology: tpu7x:2x2x1
jax: 0.10.2.dev20260603
libtpu: 0.0.44.dev20260713+nightly
codegen_flags: <defaults>
</compile_context>

<pallas_src>
import functools

import jax
import jax.numpy as jnp
from jax import lax
from jax.experimental import pallas as pl
from jax.experimental.pallas import tpu as pltpu
from jax.experimental.pallas import tpu_sc as plsc

N_CODES = 1024
DIM = 64
BLOCK_P = 1024

SC_NC = 2
SC_NS = 16
SC_NW = SC_NC * SC_NS

_dot = functools.partial(
    jax.lax.dot_general,
    dimension_numbers=(((1,), (0,)), ((), ())),
    preferred_element_type=jnp.float32,
)

KDIM = 4 * DIM


def _dist_block(x_ref, et_ref, i12_ref, b_scr):
    @pl.when(pl.program_id(0) == 0)
    def _():
        et = et_ref[...]
        e2t = et * et
        e3t = e2t * et
        c = jnp.sum(e2t * e2t, axis=0, keepdims=True)
        b = jnp.concatenate(
            [-4.0 * et, -4.0 * e3t, 6.0 * e2t,
             jnp.concatenate([c, jnp.zeros((DIM - 1, N_CODES), jnp.float32)],
                             axis=0)],
            axis=0)
        b_hi = b.astype(jnp.bfloat16)
        b_lo = (b - b_hi.astype(jnp.float32)).astype(jnp.bfloat16)
        b_scr[0:KDIM, :] = b_hi
        b_scr[KDIM:, :] = b_lo

    x = x_ref[...]
    x2 = x * x
    x3 = x2 * x
    a = jnp.concatenate([x3, x, x2, jnp.ones_like(x)], axis=1)
    a_hi = a.astype(jnp.bfloat16)
    a_lo = (a - a_hi.astype(jnp.float32)).astype(jnp.bfloat16)
    b_hi = b_scr[0:KDIM, :]
    b_lo = b_scr[KDIM:, :]
    m = _dot(a_hi, b_hi) + (_dot(a_hi, b_lo) + _dot(a_lo, b_hi))
    iota = lax.broadcasted_iota(jnp.int32, m.shape, 1)
    idx1 = jnp.argmin(m, axis=1).astype(jnp.int32)
    m2 = jnp.where(iota == idx1[:, None], jnp.float32(jnp.inf), m)
    idx2 = jnp.argmin(m2, axis=1).astype(jnp.int32)
    i12_ref[0:BLOCK_P] = idx1[:, None]
    i12_ref[BLOCK_P:] = idx2[:, None]


def _refine_block(x_ref, e1_ref, e2_ref, i1_ref, i2_ref,
                  idx_ref, q_ref, loss_ref):
    x = x_ref[...]
    e1 = e1_ref[:, :DIM]
    e2 = e2_ref[:, :DIM]
    d1 = x - e1
    p1 = d1 * d1
    s1 = jnp.sum(p1 * p1, axis=1, keepdims=True)
    d2 = x - e2
    p2 = d2 * d2
    s2 = jnp.sum(p2 * p2, axis=1, keepdims=True)
    i1 = i1_ref[...]
    i2 = i2_ref[...]
    take2 = (s2 < s1) | ((s2 == s1) & (i2 < i1))
    idx_ref[...] = jnp.where(take2, i2, i1)
    q = jnp.where(take2, e2, e1)
    diff = q - x
    q_ref[...] = x + diff
    s = jnp.sum(diff * diff, axis=(0, 1), keepdims=True)
    prev = jnp.where(pl.program_id(0) == 0,
                     jnp.zeros((1, 1), jnp.float32), loss_ref[...])
    loss_ref[...] = prev + s


def _make_sc_gather(n_rows):
    b_per_w = n_rows // SC_NW
    mesh = plsc.VectorSubcoreMesh(core_axis_name="c", subcore_axis_name="s")

    @functools.partial(
        pl.kernel,
        out_type=jax.ShapeDtypeStruct((n_rows, 2 * DIM), jnp.float32),
        mesh=mesh,
        scratch_types=[
            pltpu.VMEM((b_per_w // 2,), jnp.int32),
            pltpu.VMEM((b_per_w // 2,), jnp.int32),
            pltpu.VMEM((b_per_w // 2, 2 * DIM), jnp.float32),
            pltpu.VMEM((b_per_w // 2, 2 * DIM), jnp.float32),
            pltpu.SemaphoreType.DMA,
            pltpu.SemaphoreType.DMA,
        ],
    )
    def _gather(table_hbm, idx_hbm, out_hbm,
                idx0, idx1, rows0, rows1, sem0, sem1):
        half = b_per_w // 2
        wid = lax.axis_index("s") * SC_NC + lax.axis_index("c")
        base = wid * b_per_w
        pltpu.sync_copy(idx_hbm.at[pl.ds(base, half)], idx0)
        pltpu.sync_copy(idx_hbm.at[pl.ds(base + half, half)], idx1)
        c0 = pltpu.async_copy(table_hbm.at[idx0], rows0, sem0)
        c1 = pltpu.async_copy(table_hbm.at[idx1], rows1, sem1)
        c0.wait()
        pltpu.sync_copy(rows0, out_hbm.at[pl.ds(base, half)])
        c1.wait()
        pltpu.sync_copy(rows1, out_hbm.at[pl.ds(base + half, half)])

    return _gather


def _dist_chunk(x, et, off_blk, nblk_c):
    n_c = nblk_c * BLOCK_P
    return pl.pallas_call(
        _dist_block,
        grid=(nblk_c,),
        in_specs=[
            pl.BlockSpec((BLOCK_P, DIM), lambda i, o=off_blk: (i + o, 0)),
            pl.BlockSpec((DIM, N_CODES), lambda i: (0, 0)),
        ],
        out_specs=pl.BlockSpec((2 * BLOCK_P, 1), lambda i: (i, 0)),
        out_shape=jax.ShapeDtypeStruct((2 * n_c, 1), jnp.int32),
        scratch_shapes=[pltpu.VMEM((2 * KDIM, N_CODES), jnp.bfloat16)],
    )(x, et)


def _refine_chunk(x, rows, i12, off_blk, nblk_c):
    n_c = nblk_c * BLOCK_P
    return pl.pallas_call(
        _refine_block,
        grid=(nblk_c,),
        in_specs=[
            pl.BlockSpec((BLOCK_P, DIM), lambda i, o=off_blk: (i + o, 0)),
            pl.BlockSpec((BLOCK_P, 2 * DIM), lambda i: (2 * i, 0)),
            pl.BlockSpec((BLOCK_P, 2 * DIM), lambda i: (2 * i + 1, 0)),
            pl.BlockSpec((BLOCK_P, 1), lambda i: (2 * i, 0)),
            pl.BlockSpec((BLOCK_P, 1), lambda i: (2 * i + 1, 0)),
        ],
        out_specs=[
            pl.BlockSpec((BLOCK_P, 1), lambda i: (i, 0)),
            pl.BlockSpec((BLOCK_P, DIM), lambda i: (i, 0)),
            pl.BlockSpec((1, 1), lambda i: (0, 0)),
        ],
        out_shape=[
            jax.ShapeDtypeStruct((n_c, 1), jnp.int32),
            jax.ShapeDtypeStruct((n_c, DIM), jnp.float32),
            jax.ShapeDtypeStruct((1, 1), jnp.float32),
        ],
    )(x, rows, rows, i12, i12)


def _chunk_blocks(nblk):
    sizes = [5, 4]
    assert sum(sizes) == nblk
    return sizes


def kernel(inputs, embed):
    inputs = inputs.astype(jnp.float32)
    B, C, H, W = inputs.shape
    x = jnp.transpose(inputs, (0, 2, 3, 1)).reshape(-1, C)
    et = embed.T
    table = jnp.concatenate([embed, jnp.zeros_like(embed)], axis=1)
    n = x.shape[0]
    nblk = n // BLOCK_P

    chunks = []
    off = 0
    for nblk_c in _chunk_blocks(nblk):
        i12_c = _dist_chunk(x, et, off, nblk_c)
        rows_c = _make_sc_gather(2 * nblk_c * BLOCK_P)(table,
                                                       i12_c.reshape(-1))
        chunks.append((i12_c, rows_c, off, nblk_c))
        off += nblk_c

    parts = [_refine_chunk(x, rows_c, i12_c, off_c, nblk_c)
             for i12_c, rows_c, off_c, nblk_c in chunks]
    idx2d = jnp.concatenate([p[0] for p in parts], axis=0)
    q = jnp.concatenate([p[1] for p in parts], axis=0)
    loss_sum = sum(p[2][0, 0] for p in parts)

    encoding_indices = idx2d.reshape(B, H, W)
    quantized_st = q.reshape(B, H, W, C).transpose(0, 3, 1, 2)
    loss = 0.25 * loss_sum / (B * C * H * W)
    return (quantized_st, encoding_indices, loss)

# --- scband reference (transcript-rebuilt; emitter-appended) ---
"""Pipeline reference for scband-emavector-quantizer-15908558865422 (READ-ONLY COPY).

The authoritative reference and input builder live on the scoring server;
editing this copy changes nothing except your own understanding.
"""

import jax, jax.numpy as jnp
import numpy as np

NUM_EMBEDDINGS = 1024
EMBED_DIM = 64
COMMITMENT_COST = 0.25
CHUNK = 1024

def setup_inputs(seed: int = 0) -> dict:
    key = jax.random.key(seed)
    k1, k2 = jax.random.split(key)
    inputs = jax.random.normal(k1, (16, 64, 24, 24), dtype=jnp.float32)
    embed = jax.random.normal(k2, (NUM_EMBEDDINGS, EMBED_DIM), dtype=jnp.float32)
    return {"inputs": inputs, "embed": embed}

def _nearest_code(flat, embed):
    # torch.cdist(flat, embed, p=ndim) with ndim=4 -> p=4 norm.
    # argmin of (sum |diff|^4)^(1/4) == argmin of sum diff^4.
    n, d = flat.shape
    pad = (-n) % CHUNK
    flat_p = jnp.pad(flat, ((0, pad), (0, 0)))
    chunks = flat_p.reshape(-1, CHUNK, d)
    def per_chunk(c):
        diff = c[:, None, :] - embed[None, :, :]
        dist4 = jnp.sum(diff ** 4, axis=-1)
        return jnp.argmin(dist4, axis=1)
    idx = jax.lax.map(per_chunk, chunks).reshape(-1)[:n]
    return idx

def reference(inputs, embed):
    # eval-mode forward (no EMA update, first_pass init is a training-only branch)
    inputs = inputs.astype(jnp.float32)
    B, C, H, W = inputs.shape
    channel_last = jnp.transpose(inputs, (0, 2, 3, 1))
    input_shape = channel_last.shape
    flat_input = channel_last.reshape(-1, C)
    encoding_indices = _nearest_code(flat_input, embed)
    quantized = jnp.take(embed, encoding_indices, axis=0).reshape(input_shape)
    quantized = jnp.transpose(quantized, (0, 3, 1, 2))
    encoding_indices = encoding_indices.reshape(input_shape[:-1])
    quantized_sg = jax.lax.stop_gradient(quantized)
    e_latent_loss = jnp.mean((quantized_sg - inputs) ** 2)
    loss = COMMITMENT_COST * e_latent_loss
    quantized_st = inputs + jax.lax.stop_gradient(quantized - inputs)
    return (quantized_st, encoding_indices, loss)

if __name__ == "__main__":
    import jax
    _d = setup_inputs()
    print(jax.jit(kernel)(*tuple(_d.values())))

</pallas_src>

<mosaic_0001>
#map = affine_map<(d0, d1) -> (0, 0)>
#map1 = affine_map<(d0, d1) -> (0)>
module attributes {stable_mosaic.version = 14 : i64} {
  func.func @_gather(%arg0: i32, %arg1: i32, %arg2: memref<1024x128xf32, #tpu.memory_space<hbm>>, %arg3: memref<10240xi32, #tpu.memory_space<hbm>>, %arg4: memref<10240x128xf32, #tpu.memory_space<hbm>>, %arg5: memref<160xi32, #tpu.memory_space<vmem>>, %arg6: memref<160xi32, #tpu.memory_space<vmem>>, %arg7: memref<160x128xf32, #tpu.memory_space<vmem>>, %arg8: memref<160x128xf32, #tpu.memory_space<vmem>>, %arg9: memref<!tpu.dma_semaphore, #tpu.memory_space<semaphore_mem>>, %arg10: memref<!tpu.dma_semaphore, #tpu.memory_space<semaphore_mem>>) attributes {dimension_semantics = [#tpu.dimension_semantics<core_parallel>, #tpu.dimension_semantics<subcore_parallel>], iteration_bounds = array<i64: 2, 16>, scalar_prefetch = 0 : i64, scratch_operands = 6 : i64, tpu.core_type = #tpu.core_type<sc_vector_subcore>, window_params = [{transform_indices = #map}, {transform_indices = #map1}, {transform_indices = #map}]} {
    %mul3A = arith.constant 2 : i32
    %mul3A_0 = arith.muli %arg1, %mul3A : i32
    %add3A = arith.addi %mul3A_0, %arg0 : i32
    %mul3A_1 = arith.constant 320 : i32
    %mul3A_2 = arith.muli %add3A, %mul3A_1 : i32
    "tpu.region"() ({
      %run_scoped3A = tpu.sem_alloc : memref<!tpu.dma_semaphore, #tpu.memory_space<semaphore_mem>>
      %dma_start3A_17 = tpu.memref_slice %arg3[%mul3A_2] : memref<10240xi32, #tpu.memory_space<hbm>> -> memref<160xi32, #tpu.memory_space<hbm>>
      %dma_start3A_18 = tpu.memref_slice %arg3[%mul3A_2] : memref<10240xi32, #tpu.memory_space<hbm>> -> memref<160xi32, #tpu.memory_space<hbm>>
      tpu.enqueue_dma source(%dma_start3A_18 : memref<160xi32, #tpu.memory_space<hbm>>) target(%arg5 : memref<160xi32, #tpu.memory_space<vmem>>) target_semaphore(%run_scoped3A : memref<!tpu.dma_semaphore, #tpu.memory_space<semaphore_mem>>)
      %dma_wait3A_19 = tpu.memref_slice %arg3[%mul3A_2] : memref<10240xi32, #tpu.memory_space<hbm>> -> memref<160xi32, #tpu.memory_space<hbm>>
      %dma_wait3A_20 = tpu.memref_slice %arg3[%mul3A_2] : memref<10240xi32, #tpu.memory_space<hbm>> -> memref<160xi32, #tpu.memory_space<hbm>>
      tpu.wait_dma2 semaphore(%run_scoped3A : memref<!tpu.dma_semaphore, #tpu.memory_space<semaphore_mem>>) src(%dma_wait3A_20 : memref<160xi32, #tpu.memory_space<hbm>>) dst(%arg5 : memref<160xi32, #tpu.memory_space<vmem>>)
      tpu.yield
    }) : () -> ()
    %add3A_3 = arith.constant 160 : i32
    %add3A_4 = arith.addi %mul3A_2, %add3A_3 : i32
    "tpu.region"() ({
      %run_scoped3A = tpu.sem_alloc : memref<!tpu.dma_semaphore, #tpu.memory_space<semaphore_mem>>
      %dma_start3A_17 = tpu.memref_slice %arg3[%add3A_4] : memref<10240xi32, #tpu.memory_space<hbm>> -> memref<160xi32, #tpu.memory_space<hbm>>
      %dma_start3A_18 = tpu.memref_slice %arg3[%add3A_4] : memref<10240xi32, #tpu.memory_space<hbm>> -> memref<160xi32, #tpu.memory_space<hbm>>
      tpu.enqueue_dma source(%dma_start3A_18 : memref<160xi32, #tpu.memory_space<hbm>>) target(%arg6 : memref<160xi32, #tpu.memory_space<vmem>>) target_semaphore(%run_scoped3A : memref<!tpu.dma_semaphore, #tpu.memory_space<semaphore_mem>>)
      %dma_wait3A_19 = tpu.memref_slice %arg3[%add3A_4] : memref<10240xi32, #tpu.memory_space<hbm>> -> memref<160xi32, #tpu.memory_space<hbm>>
      %dma_wait3A_20 = tpu.memref_slice %arg3[%add3A_4] : memref<10240xi32, #tpu.memory_space<hbm>> -> memref<160xi32, #tpu.memory_space<hbm>>
      tpu.wait_dma2 semaphore(%run_scoped3A : memref<!tpu.dma_semaphore, #tpu.memory_space<semaphore_mem>>) src(%dma_wait3A_20 : memref<160xi32, #tpu.memory_space<hbm>>) dst(%arg6 : memref<160xi32, #tpu.memory_space<vmem>>)
      tpu.yield
    }) : () -> ()
    %dma_start3A = arith.constant 0 : i32
    %dma_start3A_5 = arith.constant 0 : i32
    %dma_start3A_6 = tpu.memref_slice %arg2[%dma_start3A, %dma_start3A_5] : memref<1024x128xf32, #tpu.memory_space<hbm>> -> memref<1024x128xf32, #tpu.memory_space<hbm>>
    tpu.enqueue_indirect_dma source(%dma_start3A_6 : memref<1024x128xf32, #tpu.memory_space<hbm>>) target(%arg7 : memref<160x128xf32, #tpu.memory_space<vmem>>) offsets(%arg5 : memref<160xi32, #tpu.memory_space<vmem>>) semaphore(%arg9 : memref<!tpu.dma_semaphore, #tpu.memory_space<semaphore_mem>>)
    %dma_start3A_7 = arith.constant 0 : i32
    %dma_start3A_8 = arith.constant 0 : i32
    %dma_start3A_9 = tpu.memref_slice %arg2[%dma_start3A_7, %dma_start3A_8] : memref<1024x128xf32, #tpu.memory_space<hbm>> -> memref<1024x128xf32, #tpu.memory_space<hbm>>
    tpu.enqueue_indirect_dma source(%dma_start3A_9 : memref<1024x128xf32, #tpu.memory_space<hbm>>) target(%arg8 : memref<160x128xf32, #tpu.memory_space<vmem>>) offsets(%arg6 : memref<160xi32, #tpu.memory_space<vmem>>) semaphore(%arg10 : memref<!tpu.dma_semaphore, #tpu.memory_space<semaphore_mem>>)
    %dma_wait3A = arith.constant 0 : i32
    %dma_wait3A_10 = arith.constant 0 : i32
    %dma_wait3A_11 = tpu.memref_slice %arg2[%dma_wait3A, %dma_wait3A_10] : memref<1024x128xf32, #tpu.memory_space<hbm>> -> memref<1024x128xf32, #tpu.memory_space<hbm>>
    tpu.wait_indirect_dma semaphore(%arg9 : memref<!tpu.dma_semaphore, #tpu.memory_space<semaphore_mem>>) src(%dma_wait3A_11 : memref<1024x128xf32, #tpu.memory_space<hbm>>) dst(%arg7 : memref<160x128xf32, #tpu.memory_space<vmem>>)
    "tpu.region"() ({
      %run_scoped3A = tpu.sem_alloc : memref<!tpu.dma_semaphore, #tpu.memory_space<semaphore_mem>>
      %dma_start3A_17 = arith.constant 0 : i32
      %dma_start3A_18 = tpu.memref_slice %arg4[%mul3A_2, %dma_start3A_17] : memref<10240x128xf32, #tpu.memory_space<hbm>> -> memref<160x128xf32, #tpu.memory_space<hbm>>
      %dma_start3A_19 = arith.constant 0 : i32
      %dma_start3A_20 = tpu.memref_slice %arg4[%mul3A_2, %dma_start3A_19] : memref<10240x128xf32, #tpu.memory_space<hbm>> -> memref<160x128xf32, #tpu.memory_space<hbm>>
      tpu.enqueue_dma source(%arg7 : memref<160x128xf32, #tpu.memory_space<vmem>>) target(%dma_start3A_20 : memref<160x128xf32, #tpu.memory_space<hbm>>) target_semaphore(%run_scoped3A : memref<!tpu.dma_semaphore, #tpu.memory_space<semaphore_mem>>)
      %dma_wait3A_21 = arith.constant 0 : i32
      %dma_wait3A_22 = tpu.memref_slice %arg4[%mul3A_2, %dma_wait3A_21] : memref<10240x128xf32, #tpu.memory_space<hbm>> -> memref<160x128xf32, #tpu.memory_space<hbm>>
      %dma_wait3A_23 = arith.constant 0 : i32
      %dma_wait3A_24 = tpu.memref_slice %arg4[%mul3A_2, %dma_wait3A_23] : memref<10240x128xf32, #tpu.memory_space<hbm>> -> memref<160x128xf32, #tpu.memory_space<hbm>>
      tpu.wait_dma2 semaphore(%run_scoped3A : memref<!tpu.dma_semaphore, #tpu.memory_space<semaphore_mem>>) src(%arg7 : memref<160x128xf32, #tpu.memory_space<vmem>>) dst(%dma_wait3A_24 : memref<160x128xf32, #tpu.memory_space<hbm>>)
      tpu.yield
    }) : () -> ()
    %dma_wait3A_12 = arith.constant 0 : i32
    %dma_wait3A_13 = arith.constant 0 : i32
    %dma_wait3A_14 = tpu.memref_slice %arg2[%dma_wait3A_12, %dma_wait3A_13] : memref<1024x128xf32, #tpu.memory_space<hbm>> -> memref<1024x128xf32, #tpu.memory_space<hbm>>
    tpu.wait_indirect_dma semaphore(%arg10 : memref<!tpu.dma_semaphore, #tpu.memory_space<semaphore_mem>>) src(%dma_wait3A_14 : memref<1024x128xf32, #tpu.memory_space<hbm>>) dst(%arg8 : memref<160x128xf32, #tpu.memory_space<vmem>>)
    %add3A_15 = arith.constant 160 : i32
    %add3A_16 = arith.addi %mul3A_2, %add3A_15 : i32
    "tpu.region"() ({
      %run_scoped3A = tpu.sem_alloc : memref<!tpu.dma_semaphore, #tpu.memory_space<semaphore_mem>>
      %dma_start3A_17 = arith.constant 0 : i32
      %dma_start3A_18 = tpu.memref_slice %arg4[%add3A_16, %dma_start3A_17] : memref<10240x128xf32, #tpu.memory_space<hbm>> -> memref<160x128xf32, #tpu.memory_space<hbm>>
      %dma_start3A_19 = arith.constant 0 : i32
      %dma_start3A_20 = tpu.memref_slice %arg4[%add3A_16, %dma_start3A_19] : memref<10240x128xf32, #tpu.memory_space<hbm>> -> memref<160x128xf32, #tpu.memory_space<hbm>>
      tpu.enqueue_dma source(%arg8 : memref<160x128xf32, #tpu.memory_space<vmem>>) target(%dma_start3A_20 : memref<160x128xf32, #tpu.memory_space<hbm>>) target_semaphore(%run_scoped3A : memref<!tpu.dma_semaphore, #tpu.memory_space<semaphore_mem>>)
      %dma_wait3A_21 = arith.constant 0 : i32
      %dma_wait3A_22 = tpu.memref_slice %arg4[%add3A_16, %dma_wait3A_21] : memref<10240x128xf32, #tpu.memory_space<hbm>> -> memref<160x128xf32, #tpu.memory_space<hbm>>
      %dma_wait3A_23 = arith.constant 0 : i32
      %dma_wait3A_24 = tpu.memref_slice %arg4[%add3A_16, %dma_wait3A_23] : memref<10240x128xf32, #tpu.memory_space<hbm>> -> memref<160x128xf32, #tpu.memory_space<hbm>>
      tpu.wait_dma2 semaphore(%run_scoped3A : memref<!tpu.dma_semaphore, #tpu.memory_space<semaphore_mem>>) src(%arg8 : memref<160x128xf32, #tpu.memory_space<vmem>>) dst(%dma_wait3A_24 : memref<160x128xf32, #tpu.memory_space<hbm>>)
      tpu.yield
    }) : () -> ()
    return
  }
}

#map = affine_map<(d0, d1) -> (0, 0)>
#map1 = affine_map<(d0, d1) -> (0)>
module attributes {stable_mosaic.version = 14 : i64} {
  func.func @_gather(%arg0: i32, %arg1: i32, %arg2: memref<1024x128xf32, #tpu.memory_space<hbm>>, %arg3: memref<8192xi32, #tpu.memory_space<hbm>>, %arg4: memref<8192x128xf32, #tpu.memory_space<hbm>>, %arg5: memref<128xi32, #tpu.memory_space<vmem>>, %arg6: memref<128xi32, #tpu.memory_space<vmem>>, %arg7: memref<128x128xf32, #tpu.memory_space<vmem>>, %arg8: memref<128x128xf32, #tpu.memory_space<vmem>>, %arg9: memref<!tpu.dma_semaphore, #tpu.memory_space<semaphore_mem>>, %arg10: memref<!tpu.dma_semaphore, #tpu.memory_space<semaphore_mem>>) attributes {dimension_semantics = [#tpu.dimension_semantics<core_parallel>, #tpu.dimension_semantics<subcore_parallel>], iteration_bounds = array<i64: 2, 16>, scalar_prefetch = 0 : i64, scratch_operands = 6 : i64, tpu.core_type = #tpu.core_type<sc_vector_subcore>, window_params = [{transform_indices = #map}, {transform_indices = #map1}, {transform_indices = #map}]} {
    %mul3A = arith.constant 2 : i32
    %mul3A_0 = arith.muli %arg1, %mul3A : i32
    %add3A = arith.addi %mul3A_0, %arg0 : i32
    %mul3A_1 = arith.constant 256 : i32
    %mul3A_2 = arith.muli %add3A, %mul3A_1 : i32
    "tpu.region"() ({
      %run_scoped3A = tpu.sem_alloc : memref<!tpu.dma_semaphore, #tpu.memory_space<semaphore_mem>>
      %dma_start3A_17 = tpu.memref_slice %arg3[%mul3A_2] : memref<8192xi32, #tpu.memory_space<hbm>> -> memref<128xi32, #tpu.memory_space<hbm>>
      %dma_start3A_18 = tpu.memref_slice %arg3[%mul3A_2] : memref<8192xi32, #tpu.memory_space<hbm>> -> memref<128xi32, #tpu.memory_space<hbm>>
      tpu.enqueue_dma source(%dma_start3A_18 : memref<128xi32, #tpu.memory_space<hbm>>) target(%arg5 : memref<128xi32, #tpu.memory_space<vmem>>) target_semaphore(%run_scoped3A : memref<!tpu.dma_semaphore, #tpu.memory_space<semaphore_mem>>)
      %dma_wait3A_19 = tpu.memref_slice %arg3[%mul3A_2] : memref<8192xi32, #tpu.memory_space<hbm>> -> memref<128xi32, #tpu.memory_space<hbm>>
      %dma_wait3A_20 = tpu.memref_slice %arg3[%mul3A_2] : memref<8192xi32, #tpu.memory_space<hbm>> -> memref<128xi32, #tpu.memory_space<hbm>>
      tpu.wait_dma2 semaphore(%run_scoped3A : memref<!tpu.dma_semaphore, #tpu.memory_space<semaphore_mem>>) src(%dma_wait3A_20 : memref<128xi32, #tpu.memory_space<hbm>>) dst(%arg5 : memref<128xi32, #tpu.memory_space<vmem>>)
      tpu.yield
    }) : () -> ()
    %add3A_3 = arith.constant 128 : i32
    %add3A_4 = arith.addi %mul3A_2, %add3A_3 : i32
    "tpu.region"() ({
      %run_scoped3A = tpu.sem_alloc : memref<!tpu.dma_semaphore, #tpu.memory_space<semaphore_mem>>
      %dma_start3A_17 = tpu.memref_slice %arg3[%add3A_4] : memref<8192xi32, #tpu.memory_space<hbm>> -> memref<128xi32, #tpu.memory_space<hbm>>
      %dma_start3A_18 = tpu.memref_slice %arg3[%add3A_4] : memref<8192xi32, #tpu.memory_space<hbm>> -> memref<128xi32, #tpu.memory_space<hbm>>
      tpu.enqueue_dma source(%dma_start3A_18 : memref<128xi32, #tpu.memory_space<hbm>>) target(%arg6 : memref<128xi32, #tpu.memory_space<vmem>>) target_semaphore(%run_scoped3A : memref<!tpu.dma_semaphore, #tpu.memory_space<semaphore_mem>>)
      %dma_wait3A_19 = tpu.memref_slice %arg3[%add3A_4] : memref<8192xi32, #tpu.memory_space<hbm>> -> memref<128xi32, #tpu.memory_space<hbm>>
      %dma_wait3A_20 = tpu.memref_slice %arg3[%add3A_4] : memref<8192xi32, #tpu.memory_space<hbm>> -> memref<128xi32, #tpu.memory_space<hbm>>
      tpu.wait_dma2 semaphore(%run_scoped3A : memref<!tpu.dma_semaphore, #tpu.memory_space<semaphore_mem>>) src(%dma_wait3A_20 : memref<128xi32, #tpu.memory_space<hbm>>) dst(%arg6 : memref<128xi32, #tpu.memory_space<vmem>>)
      tpu.yield
    }) : () -> ()
    %dma_start3A = arith.constant 0 : i32
    %dma_start3A_5 = arith.constant 0 : i32
    %dma_start3A_6 = tpu.memref_slice %arg2[%dma_start3A, %dma_start3A_5] : memref<1024x128xf32, #tpu.memory_space<hbm>> -> memref<1024x128xf32, #tpu.memory_space<hbm>>
    tpu.enqueue_indirect_dma source(%dma_start3A_6 : memref<1024x128xf32, #tpu.memory_space<hbm>>) target(%arg7 : memref<128x128xf32, #tpu.memory_space<vmem>>) offsets(%arg5 : memref<128xi32, #tpu.memory_space<vmem>>) semaphore(%arg9 : memref<!tpu.dma_semaphore, #tpu.memory_space<semaphore_mem>>)
    %dma_start3A_7 = arith.constant 0 : i32
    %dma_start3A_8 = arith.constant 0 : i32
    %dma_start3A_9 = tpu.memref_slice %arg2[%dma_start3A_7, %dma_start3A_8] : memref<1024x128xf32, #tpu.memory_space<hbm>> -> memref<1024x128xf32, #tpu.memory_space<hbm>>
    tpu.enqueue_indirect_dma source(%dma_start3A_9 : memref<1024x128xf32, #tpu.memory_space<hbm>>) target(%arg8 : memref<128x128xf32, #tpu.memory_space<vmem>>) offsets(%arg6 : memref<128xi32, #tpu.memory_space<vmem>>) semaphore(%arg10 : memref<!tpu.dma_semaphore, #tpu.memory_space<semaphore_mem>>)
    %dma_wait3A = arith.constant 0 : i32
    %dma_wait3A_10 = arith.constant 0 : i32
    %dma_wait3A_11 = tpu.memref_slice %arg2[%dma_wait3A, %dma_wait3A_10] : memref<1024x128xf32, #tpu.memory_space<hbm>> -> memref<1024x128xf32, #tpu.memory_space<hbm>>
    tpu.wait_indirect_dma semaphore(%arg9 : memref<!tpu.dma_semaphore, #tpu.memory_space<semaphore_mem>>) src(%dma_wait3A_11 : memref<1024x128xf32, #tpu.memory_space<hbm>>) dst(%arg7 : memref<128x128xf32, #tpu.memory_space<vmem>>)
    "tpu.region"() ({
      %run_scoped3A = tpu.sem_alloc : memref<!tpu.dma_semaphore, #tpu.memory_space<semaphore_mem>>
      %dma_start3A_17 = arith.constant 0 : i32
      %dma_start3A_18 = tpu.memref_slice %arg4[%mul3A_2, %dma_start3A_17] : memref<8192x128xf32, #tpu.memory_space<hbm>> -> memref<128x128xf32, #tpu.memory_space<hbm>>
      %dma_start3A_19 = arith.constant 0 : i32
      %dma_start3A_20 = tpu.memref_slice %arg4[%mul3A_2, %dma_start3A_19] : memref<8192x128xf32, #tpu.memory_space<hbm>> -> memref<128x128xf32, #tpu.memory_space<hbm>>
      tpu.enqueue_dma source(%arg7 : memref<128x128xf32, #tpu.memory_space<vmem>>) target(%dma_start3A_20 : memref<128x128xf32, #tpu.memory_space<hbm>>) target_semaphore(%run_scoped3A : memref<!tpu.dma_semaphore, #tpu.memory_space<semaphore_mem>>)
      %dma_wait3A_21 = arith.constant 0 : i32
      %dma_wait3A_22 = tpu.memref_slice %arg4[%mul3A_2, %dma_wait3A_21] : memref<8192x128xf32, #tpu.memory_space<hbm>> -> memref<128x128xf32, #tpu.memory_space<hbm>>
      %dma_wait3A_23 = arith.constant 0 : i32
      %dma_wait3A_24 = tpu.memref_slice %arg4[%mul3A_2, %dma_wait3A_23] : memref<8192x128xf32, #tpu.memory_space<hbm>> -> memref<128x128xf32, #tpu.memory_space<hbm>>
      tpu.wait_dma2 semaphore(%run_scoped3A : memref<!tpu.dma_semaphore, #tpu.memory_space<semaphore_mem>>) src(%arg7 : memref<128x128xf32, #tpu.memory_space<vmem>>) dst(%dma_wait3A_24 : memref<128x128xf32, #tpu.memory_space<hbm>>)
      tpu.yield
    }) : () -> ()
    %dma_wait3A_12 = arith.constant 0 : i32
    %dma_wait3A_13 = arith.constant 0 : i32
    %dma_wait3A_14 = tpu.memref_slice %arg2[%dma_wait3A_12, %dma_wait3A_13] : memref<1024x128xf32, #tpu.memory_space<hbm>> -> memref<1024x128xf32, #tpu.memory_space<hbm>>
    tpu.wait_indirect_dma semaphore(%arg10 : memref<!tpu.dma_semaphore, #tpu.memory_space<semaphore_mem>>) src(%dma_wait3A_14 : memref<1024x128xf32, #tpu.memory_space<hbm>>) dst(%arg8 : memref<128x128xf32, #tpu.memory_space<vmem>>)
    %add3A_15 = arith.constant 128 : i32
    %add3A_16 = arith.addi %mul3A_2, %add3A_15 : i32
    "tpu.region"() ({
      %run_scoped3A = tpu.sem_alloc : memref<!tpu.dma_semaphore, #tpu.memory_space<semaphore_mem>>
      %dma_start3A_17 = arith.constant 0 : i32
      %dma_start3A_18 = tpu.memref_slice %arg4[%add3A_16, %dma_start3A_17] : memref<8192x128xf32, #tpu.memory_space<hbm>> -> memref<128x128xf32, #tpu.memory_space<hbm>>
      %dma_start3A_19 = arith.constant 0 : i32
      %dma_start3A_20 = tpu.memref_slice %arg4[%add3A_16, %dma_start3A_19] : memref<8192x128xf32, #tpu.memory_space<hbm>> -> memref<128x128xf32, #tpu.memory_space<hbm>>
      tpu.enqueue_dma source(%arg8 : memref<128x128xf32, #tpu.memory_space<vmem>>) target(%dma_start3A_20 : memref<128x128xf32, #tpu.memory_space<hbm>>) target_semaphore(%run_scoped3A : memref<!tpu.dma_semaphore, #tpu.memory_space<semaphore_mem>>)
      %dma_wait3A_21 = arith.constant 0 : i32
      %dma_wait3A_22 = tpu.memref_slice %arg4[%add3A_16, %dma_wait3A_21] : memref<8192x128xf32, #tpu.memory_space<hbm>> -> memref<128x128xf32, #tpu.memory_space<hbm>>
      %dma_wait3A_23 = arith.constant 0 : i32
      %dma_wait3A_24 = tpu.memref_slice %arg4[%add3A_16, %dma_wait3A_23] : memref<8192x128xf32, #tpu.memory_space<hbm>> -> memref<128x128xf32, #tpu.memory_space<hbm>>
      tpu.wait_dma2 semaphore(%run_scoped3A : memref<!tpu.dma_semaphore, #tpu.memory_space<semaphore_mem>>) src(%arg8 : memref<128x128xf32, #tpu.memory_space<vmem>>) dst(%dma_wait3A_24 : memref<128x128xf32, #tpu.memory_space<hbm>>)
      tpu.yield
    }) : () -> ()
    return
  }
}

module attributes {stable_mosaic.version = 14 : i64} {
  func.func @_dist_block(%arg0: i32, %arg1: memref<1024x64xf32, #tpu.memory_space<vmem>>, %arg2: memref<64x1024xf32, #tpu.memory_space<vmem>>, %arg3: memref<2048x1xi32, #tpu.memory_space<vmem>>, %arg4: memref<512x1024xbf16, #tpu.memory_space<vmem>>) attributes {dimension_semantics = [#tpu.dimension_semantics<arbitrary>], iteration_bounds = array<i64: 5>, scalar_prefetch = 0 : i64, scratch_operands = 1 : i64, tpu.core_type = #tpu.core_type<tc>, window_params = [{transform_indices = @transform_0, window_bounds = array<i64: 1024, 64>}, {pipeline_mode = #tpu.pipeline_mode<synchronous>, transform_indices = @transform_1, window_bounds = array<i64: 64, 1024>}, {transform_indices = @transform_2, window_bounds = array<i64: 2048, 1>}]} {
    %eq3A = arith.constant 0 : i32
    %eq3A_0 = arith.cmpi eq, %arg0, %eq3A : i32
    %convert_element_type3A = arith.extui %eq3A_0 : i1 to i32
    %cond3A = arith.constant 0 : i32
    %cond3A_1 = arith.cmpi ne, %convert_element_type3A, %cond3A : i32
    scf.if %cond3A_1 {
      %get3A_33 = arith.constant 0 : index
      %get3A_34 = arith.constant 0 : index
      %get3A_35 = vector.load %arg2[%get3A_33, %get3A_34] : memref<64x1024xf32, #tpu.memory_space<vmem>>, vector<64x1024xf32>
      %mul3A_36 = arith.mulf %get3A_35, %get3A_35 : vector<64x1024xf32>
      %mul3A_37 = arith.mulf %mul3A_36, %get3A_35 : vector<64x1024xf32>
      %mul3A_38 = arith.mulf %mul3A_36, %mul3A_36 : vector<64x1024xf32>
      %reduce_sum3A = arith.constant dense<0.000000e+00> : vector<1024xf32>
      %reduce_sum3A_39 = vector.multi_reduction <add>, %mul3A_38, %reduce_sum3A [0] : vector<64x1024xf32> to vector<1024xf32>
      %broadcast_in_dim3A_40 = vector.shape_cast %reduce_sum3A_39 : vector<1024xf32> to vector<1x1024xf32>
      %mul3A_41 = arith.constant -4.000000e+00 : f32
      %mul3A_42 = vector.broadcast %mul3A_41 : f32 to vector<64x1024xf32>
      %mul3A_43 = arith.mulf %mul3A_42, %get3A_35 : vector<64x1024xf32>
      %mul3A_44 = arith.constant -4.000000e+00 : f32
      %mul3A_45 = vector.broadcast %mul3A_44 : f32 to vector<64x1024xf32>
      %mul3A_46 = arith.mulf %mul3A_45, %mul3A_37 : vector<64x1024xf32>
      %mul3A_47 = arith.constant 6.000000e+00 : f32
      %mul3A_48 = vector.broadcast %mul3A_47 : f32 to vector<64x1024xf32>
      %mul3A_49 = arith.mulf %mul3A_48, %mul3A_36 : vector<64x1024xf32>
      %broadcast_in_dim3A_50 = arith.constant 0.000000e+00 : f32
      %broadcast_in_dim3A_51 = vector.broadcast %broadcast_in_dim3A_50 : f32 to vector<63x1024xf32>
      %concatenate3A_52 = tpu.concatenate %broadcast_in_dim3A_40, %broadcast_in_dim3A_51 in 0 : vector<1x1024xf32>, vector<63x1024xf32> -> vector<64x1024xf32>
      %concatenate3A_53 = tpu.concatenate %mul3A_43, %mul3A_46, %mul3A_49, %concatenate3A_52 in 0 : vector<64x1024xf32>, vector<64x1024xf32>, vector<64x1024xf32>, vector<64x1024xf32> -> vector<256x1024xf32>
      %convert_element_type3A_54 = arith.truncf %concatenate3A_53 : vector<256x1024xf32> to vector<256x1024xbf16>
      %convert_element_type3A_55 = arith.extf %convert_element_type3A_54 : vector<256x1024xbf16> to vector<256x1024xf32>
      %sub3A_56 = arith.subf %concatenate3A_53, %convert_element_type3A_55 : vector<256x1024xf32>
      %convert_element_type3A_57 = arith.truncf %sub3A_56 : vector<256x1024xf32> to vector<256x1024xbf16>
      %swap3A_58 = arith.constant 0 : index
      %swap3A_59 = arith.constant 0 : index
      %swap3A_60 = vector.load %arg4[%swap3A_58, %swap3A_59] : memref<512x1024xbf16, #tpu.memory_space<vmem>>, vector<256x1024xbf16>
      tpu.vector_store %arg4[%swap3A_58, %swap3A_59], %convert_element_type3A_54 {strides = array<i32>} : memref<512x1024xbf16, #tpu.memory_space<vmem>>, vector<256x1024xbf16>,
      %swap3A_61 = arith.constant 256 : index
      %swap3A_62 = arith.constant 0 : index
      %swap3A_63 = vector.load %arg4[%swap3A_61, %swap3A_62] : memref<512x1024xbf16, #tpu.memory_space<vmem>>, vector<256x1024xbf16>
      tpu.vector_store %arg4[%swap3A_61, %swap3A_62], %convert_element_type3A_57 {strides = array<i32>} : memref<512x1024xbf16, #tpu.memory_space<vmem>>, vector<256x1024xbf16>,
    } else {
    }
    %get3A = arith.constant 0 : index
    %get3A_2 = arith.constant 0 : index
    %get3A_3 = vector.load %arg1[%get3A, %get3A_2] : memref<1024x64xf32, #tpu.memory_space<vmem>>, vector<1024x64xf32>
    %mul3A = arith.mulf %get3A_3, %get3A_3 : vector<1024x64xf32>
    %mul3A_4 = arith.mulf %mul3A, %get3A_3 : vector<1024x64xf32>
    %broadcast_in_dim3A = arith.constant 1.000000e+00 : f32
    %broadcast_in_dim3A_5 = vector.broadcast %broadcast_in_dim3A : f32 to vector<1024x64xf32>
    %concatenate3A = tpu.concatenate %mul3A_4, %get3A_3, %mul3A, %broadcast_in_dim3A_5 in 1 : vector<1024x64xf32>, vector<1024x64xf32>, vector<1024x64xf32>, vector<1024x64xf32> -> vector<1024x256xf32>
    %convert_element_type3A_6 = arith.truncf %concatenate3A : vector<1024x256xf32> to vector<1024x256xbf16>
    %convert_element_type3A_7 = arith.extf %convert_element_type3A_6 : vector<1024x256xbf16> to vector<1024x256xf32>
    %sub3A = arith.subf %concatenate3A, %convert_element_type3A_7 : vector<1024x256xf32>
    %convert_element_type3A_8 = arith.truncf %sub3A : vector<1024x256xf32> to vector<1024x256xbf16>
    %get3A_9 = arith.constant 0 : index
    %get3A_10 = arith.constant 0 : index
    %get3A_11 = vector.load %arg4[%get3A_9, %get3A_10] : memref<512x1024xbf16, #tpu.memory_space<vmem>>, vector<256x1024xbf16>
    %get3A_12 = arith.constant 256 : index
    %get3A_13 = arith.constant 0 : index
    %get3A_14 = vector.load %arg4[%get3A_12, %get3A_13] : memref<512x1024xbf16, #tpu.memory_space<vmem>>, vector<256x1024xbf16>
    %dot_general3A = arith.constant dense<0.000000e+00> : vector<1024x1024xf32>
    %dot_general3A_15 = tpu.matmul %convert_element_type3A_6, %get3A_11, %dot_general3A {dimension_numbers = #tpu.dot_dimension_numbers<[1], [0], [0], [1], [0, 0, 1, 1], [], []>, transpose_lhs_hint = false} : vector<1024x256xbf16>, vector<256x1024xbf16>, vector<1024x1024xf32> -> vector<1024x1024xf32>
    %dot_general3A_16 = arith.constant dense<0.000000e+00> : vector<1024x1024xf32>
    %dot_general3A_17 = tpu.matmul %convert_element_type3A_6, %get3A_14, %dot_general3A_16 {dimension_numbers = #tpu.dot_dimension_numbers<[1], [0], [0], [1], [0, 0, 1, 1], [], []>, transpose_lhs_hint = false} : vector<1024x256xbf16>, vector<256x1024xbf16>, vector<1024x1024xf32> -> vector<1024x1024xf32>
    %dot_general3A_18 = arith.constant dense<0.000000e+00> : vector<1024x1024xf32>
    %dot_general3A_19 = tpu.matmul %convert_element_type3A_8, %get3A_11, %dot_general3A_18 {dimension_numbers = #tpu.dot_dimension_numbers<[1], [0], [0], [1], [0, 0, 1, 1], [], []>, transpose_lhs_hint = false} : vector<1024x256xbf16>, vector<256x1024xbf16>, vector<1024x1024xf32> -> vector<1024x1024xf32>
    %add3A = arith.addf %dot_general3A_17, %dot_general3A_19 : vector<1024x1024xf32>
    %add3A_20 = arith.addf %dot_general3A_15, %add3A : vector<1024x1024xf32>
    %iota3A = tpu.iota {dimensions = array<i32: 1>} : vector<1024x1024xi32>
    %argmin3A = tpu.reduce_index %add3A_20 {axis = 1 : i32, kind = #tpu.reduction_kind<arg_min>} : vector<1024x1024xf32> -> vector<1024xi32>
    %broadcast_in_dim3A_21 = vector.shape_cast %argmin3A : vector<1024xi32> to vector<1024x1xi32>
    %eq3A_22 = vector.broadcast %broadcast_in_dim3A_21 : vector<1024x1xi32> to vector<1024x1024xi32>
    %eq3A_23 = arith.cmpi eq, %iota3A, %eq3A_22 : vector<1024x1024xi32>
    %jit3A = arith.constant 0x7F800000 : f32
    %broadcast_in_dim3A_24 = vector.broadcast %jit3A : f32 to vector<1024x1024xf32>
    %select_n3A = arith.select %eq3A_23, %broadcast_in_dim3A_24, %add3A_20 : vector<1024x1024xi1>, vector<1024x1024xf32>
    %argmin3A_25 = tpu.reduce_index %select_n3A {axis = 1 : i32, kind = #tpu.reduction_kind<arg_min>} : vector<1024x1024xf32> -> vector<1024xi32>
    %broadcast_in_dim3A_26 = vector.shape_cast %argmin3A : vector<1024xi32> to vector<1024x1xi32>
    %swap3A = arith.constant 0 : index
    %swap3A_27 = arith.constant 0 : index
    %swap3A_28 = vector.load %arg3[%swap3A, %swap3A_27] : memref<2048x1xi32, #tpu.memory_space<vmem>>, vector<1024x1xi32>
    tpu.vector_store %arg3[%swap3A, %swap3A_27], %broadcast_in_dim3A_26 {strides = array<i32>} : memref<2048x1xi32, #tpu.memory_space<vmem>>, vector<1024x1xi32>,
    %broadcast_in_dim3A_29 = vector.shape_cast %argmin3A_25 : vector<1024xi32> to vector<1024x1xi32>
    %swap3A_30 = arith.constant 1024 : index
    %swap3A_31 = arith.constant 0 : index
    %swap3A_32 = vector.load %arg3[%swap3A_30, %swap3A_31] : memref<2048x1xi32, #tpu.memory_space<vmem>>, vector<1024x1xi32>
    tpu.vector_store %arg3[%swap3A_30, %swap3A_31], %broadcast_in_dim3A_29 {strides = array<i32>} : memref<2048x1xi32, #tpu.memory_space<vmem>>, vector<1024x1xi32>,
    return
  }
  func.func @transform_0(%arg0: i32) -> (i32, i32) {
    %add3A = arith.constant 0 : i32
    %add3A_0 = arith.addi %arg0, %add3A : i32
    %c0_i32 = arith.constant 0 : i32
    %c0_i32_1 = arith.constant 0 : i32
    return %add3A_0, %c0_i32 : i32, i32
  }
  func.func @transform_1(%arg0: i32) -> (i32, i32) {
    %c0_i32 = arith.constant 0 : i32
    %c0_i32_0 = arith.constant 0 : i32
    %c0_i32_1 = arith.constant 0 : i32
    return %c0_i32, %c0_i32_0 : i32, i32
  }
  func.func @transform_2(%arg0: i32) -> (i32, i32) {
    %c0_i32 = arith.constant 0 : i32
    %c0_i32_0 = arith.constant 0 : i32
    return %arg0, %c0_i32 : i32, i32
  }
}

module attributes {stable_mosaic.version = 14 : i64} {
  func.func @_dist_block(%arg0: i32, %arg1: memref<1024x64xf32, #tpu.memory_space<vmem>>, %arg2: memref<64x1024xf32, #tpu.memory_space<vmem>>, %arg3: memref<2048x1xi32, #tpu.memory_space<vmem>>, %arg4: memref<512x1024xbf16, #tpu.memory_space<vmem>>) attributes {dimension_semantics = [#tpu.dimension_semantics<arbitrary>], iteration_bounds = array<i64: 4>, scalar_prefetch = 0 : i64, scratch_operands = 1 : i64, tpu.core_type = #tpu.core_type<tc>, window_params = [{transform_indices = @transform_0, window_bounds = array<i64: 1024, 64>}, {pipeline_mode = #tpu.pipeline_mode<synchronous>, transform_indices = @transform_1, window_bounds = array<i64: 64, 1024>}, {transform_indices = @transform_2, window_bounds = array<i64: 2048, 1>}]} {
    %eq3A = arith.constant 0 : i32
    %eq3A_0 = arith.cmpi eq, %arg0, %eq3A : i32
    %convert_element_type3A = arith.extui %eq3A_0 : i1 to i32
    %cond3A = arith.constant 0 : i32
    %cond3A_1 = arith.cmpi ne, %convert_element_type3A, %cond3A : i32
    scf.if %cond3A_1 {
      %get3A_33 = arith.constant 0 : index
      %get3A_34 = arith.constant 0 : index
      %get3A_35 = vector.load %arg2[%get3A_33, %get3A_34] : memref<64x1024xf32, #tpu.memory_space<vmem>>, vector<64x1024xf32>
      %mul3A_36 = arith.mulf %get3A_35, %get3A_35 : vector<64x1024xf32>
      %mul3A_37 = arith.mulf %mul3A_36, %get3A_35 : vector<64x1024xf32>
      %mul3A_38 = arith.mulf %mul3A_36, %mul3A_36 : vector<64x1024xf32>
      %reduce_sum3A = arith.constant dense<0.000000e+00> : vector<1024xf32>
      %reduce_sum3A_39 = vector.multi_reduction <add>, %mul3A_38, %reduce_sum3A [0] : vector<64x1024xf32> to vector<1024xf32>
      %broadcast_in_dim3A_40 = vector.shape_cast %reduce_sum3A_39 : vector<1024xf32> to vector<1x1024xf32>
      %mul3A_41 = arith.constant -4.000000e+00 : f32
      %mul3A_42 = vector.broadcast %mul3A_41 : f32 to vector<64x1024xf32>
      %mul3A_43 = arith.mulf %mul3A_42, %get3A_35 : vector<64x1024xf32>
      %mul3A_44 = arith.constant -4.000000e+00 : f32
      %mul3A_45 = vector.broadcast %mul3A_44 : f32 to vector<64x1024xf32>
      %mul3A_46 = arith.mulf %mul3A_45, %mul3A_37 : vector<64x1024xf32>
      %mul3A_47 = arith.constant 6.000000e+00 : f32
      %mul3A_48 = vector.broadcast %mul3A_47 : f32 to vector<64x1024xf32>
      %mul3A_49 = arith.mulf %mul3A_48, %mul3A_36 : vector<64x1024xf32>
      %broadcast_in_dim3A_50 = arith.constant 0.000000e+00 : f32
      %broadcast_in_dim3A_51 = vector.broadcast %broadcast_in_dim3A_50 : f32 to vector<63x1024xf32>
      %concatenate3A_52 = tpu.concatenate %broadcast_in_dim3A_40, %broadcast_in_dim3A_51 in 0 : vector<1x1024xf32>, vector<63x1024xf32> -> vector<64x1024xf32>
      %concatenate3A_53 = tpu.concatenate %mul3A_43, %mul3A_46, %mul3A_49, %concatenate3A_52 in 0 : vector<64x1024xf32>, vector<64x1024xf32>, vector<64x1024xf32>, vector<64x1024xf32> -> vector<256x1024xf32>
      %convert_element_type3A_54 = arith.truncf %concatenate3A_53 : vector<256x1024xf32> to vector<256x1024xbf16>
      %convert_element_type3A_55 = arith.extf %convert_element_type3A_54 : vector<256x1024xbf16> to vector<256x1024xf32>
      %sub3A_56 = arith.subf %concatenate3A_53, %convert_element_type3A_55 : vector<256x1024xf32>
      %convert_element_type3A_57 = arith.truncf %sub3A_56 : vector<256x1024xf32> to vector<256x1024xbf16>
      %swap3A_58 = arith.constant 0 : index
      %swap3A_59 = arith.constant 0 : index
      %swap3A_60 = vector.load %arg4[%swap3A_58, %swap3A_59] : memref<512x1024xbf16, #tpu.memory_space<vmem>>, vector<256x1024xbf16>
      tpu.vector_store %arg4[%swap3A_58, %swap3A_59], %convert_element_type3A_54 {strides = array<i32>} : memref<512x1024xbf16, #tpu.memory_space<vmem>>, vector<256x1024xbf16>,
      %swap3A_61 = arith.constant 256 : index
      %swap3A_62 = arith.constant 0 : index
      %swap3A_63 = vector.load %arg4[%swap3A_61, %swap3A_62] : memref<512x1024xbf16, #tpu.memory_space<vmem>>, vector<256x1024xbf16>
      tpu.vector_store %arg4[%swap3A_61, %swap3A_62], %convert_element_type3A_57 {strides = array<i32>} : memref<512x1024xbf16, #tpu.memory_space<vmem>>, vector<256x1024xbf16>,
    } else {
    }
    %get3A = arith.constant 0 : index
    %get3A_2 = arith.constant 0 : index
    %get3A_3 = vector.load %arg1[%get3A, %get3A_2] : memref<1024x64xf32, #tpu.memory_space<vmem>>, vector<1024x64xf32>
    %mul3A = arith.mulf %get3A_3, %get3A_3 : vector<1024x64xf32>
    %mul3A_4 = arith.mulf %mul3A, %get3A_3 : vector<1024x64xf32>
    %broadcast_in_dim3A = arith.constant 1.000000e+00 : f32
    %broadcast_in_dim3A_5 = vector.broadcast %broadcast_in_dim3A : f32 to vector<1024x64xf32>
    %concatenate3A = tpu.concatenate %mul3A_4, %get3A_3, %mul3A, %broadcast_in_dim3A_5 in 1 : vector<1024x64xf32>, vector<1024x64xf32>, vector<1024x64xf32>, vector<1024x64xf32> -> vector<1024x256xf32>
    %convert_element_type3A_6 = arith.truncf %concatenate3A : vector<1024x256xf32> to vector<1024x256xbf16>
    %convert_element_type3A_7 = arith.extf %convert_element_type3A_6 : vector<1024x256xbf16> to vector<1024x256xf32>
    %sub3A = arith.subf %concatenate3A, %convert_element_type3A_7 : vector<1024x256xf32>
    %convert_element_type3A_8 = arith.truncf %sub3A : vector<1024x256xf32> to vector<1024x256xbf16>
    %get3A_9 = arith.constant 0 : index
    %get3A_10 = arith.constant 0 : index
    %get3A_11 = vector.load %arg4[%get3A_9, %get3A_10] : memref<512x1024xbf16, #tpu.memory_space<vmem>>, vector<256x1024xbf16>
    %get3A_12 = arith.constant 256 : index
    %get3A_13 = arith.constant 0 : index
    %get3A_14 = vector.load %arg4[%get3A_12, %get3A_13] : memref<512x1024xbf16, #tpu.memory_space<vmem>>, vector<256x1024xbf16>
    %dot_general3A = arith.constant dense<0.000000e+00> : vector<1024x1024xf32>
    %dot_general3A_15 = tpu.matmul %convert_element_type3A_6, %get3A_11, %dot_general3A {dimension_numbers = #tpu.dot_dimension_numbers<[1], [0], [0], [1], [0, 0, 1, 1], [], []>, transpose_lhs_hint = false} : vector<1024x256xbf16>, vector<256x1024xbf16>, vector<1024x1024xf32> -> vector<1024x1024xf32>
    %dot_general3A_16 = arith.constant dense<0.000000e+00> : vector<1024x1024xf32>
    %dot_general3A_17 = tpu.matmul %convert_element_type3A_6, %get3A_14, %dot_general3A_16 {dimension_numbers = #tpu.dot_dimension_numbers<[1], [0], [0], [1], [0, 0, 1, 1], [], []>, transpose_lhs_hint = false} : vector<1024x256xbf16>, vector<256x1024xbf16>, vector<1024x1024xf32> -> vector<1024x1024xf32>
    %dot_general3A_18 = arith.constant dense<0.000000e+00> : vector<1024x1024xf32>
    %dot_general3A_19 = tpu.matmul %convert_element_type3A_8, %get3A_11, %dot_general3A_18 {dimension_numbers = #tpu.dot_dimension_numbers<[1], [0], [0], [1], [0, 0, 1, 1], [], []>, transpose_lhs_hint = false} : vector<1024x256xbf16>, vector<256x1024xbf16>, vector<1024x1024xf32> -> vector<1024x1024xf32>
    %add3A = arith.addf %dot_general3A_17, %dot_general3A_19 : vector<1024x1024xf32>
    %add3A_20 = arith.addf %dot_general3A_15, %add3A : vector<1024x1024xf32>
    %iota3A = tpu.iota {dimensions = array<i32: 1>} : vector<1024x1024xi32>
    %argmin3A = tpu.reduce_index %add3A_20 {axis = 1 : i32, kind = #tpu.reduction_kind<arg_min>} : vector<1024x1024xf32> -> vector<1024xi32>
    %broadcast_in_dim3A_21 = vector.shape_cast %argmin3A : vector<1024xi32> to vector<1024x1xi32>
    %eq3A_22 = vector.broadcast %broadcast_in_dim3A_21 : vector<1024x1xi32> to vector<1024x1024xi32>
    %eq3A_23 = arith.cmpi eq, %iota3A, %eq3A_22 : vector<1024x1024xi32>
    %jit3A = arith.constant 0x7F800000 : f32
    %broadcast_in_dim3A_24 = vector.broadcast %jit3A : f32 to vector<1024x1024xf32>
    %select_n3A = arith.select %eq3A_23, %broadcast_in_dim3A_24, %add3A_20 : vector<1024x1024xi1>, vector<1024x1024xf32>
    %argmin3A_25 = tpu.reduce_index %select_n3A {axis = 1 : i32, kind = #tpu.reduction_kind<arg_min>} : vector<1024x1024xf32> -> vector<1024xi32>
    %broadcast_in_dim3A_26 = vector.shape_cast %argmin3A : vector<1024xi32> to vector<1024x1xi32>
    %swap3A = arith.constant 0 : index
    %swap3A_27 = arith.constant 0 : index
    %swap3A_28 = vector.load %arg3[%swap3A, %swap3A_27] : memref<2048x1xi32, #tpu.memory_space<vmem>>, vector<1024x1xi32>
    tpu.vector_store %arg3[%swap3A, %swap3A_27], %broadcast_in_dim3A_26 {strides = array<i32>} : memref<2048x1xi32, #tpu.memory_space<vmem>>, vector<1024x1xi32>,
    %broadcast_in_dim3A_29 = vector.shape_cast %argmin3A_25 : vector<1024xi32> to vector<1024x1xi32>
    %swap3A_30 = arith.constant 1024 : index
    %swap3A_31 = arith.constant 0 : index
    %swap3A_32 = vector.load %arg3[%swap3A_30, %swap3A_31] : memref<2048x1xi32, #tpu.memory_space<vmem>>, vector<1024x1xi32>
    tpu.vector_store %arg3[%swap3A_30, %swap3A_31], %broadcast_in_dim3A_29 {strides = array<i32>} : memref<2048x1xi32, #tpu.memory_space<vmem>>, vector<1024x1xi32>,
    return
  }
  func.func @transform_0(%arg0: i32) -> (i32, i32) {
    %add3A = arith.constant 5 : i32
    %add3A_0 = arith.addi %arg0, %add3A : i32
    %c0_i32 = arith.constant 0 : i32
    %c0_i32_1 = arith.constant 0 : i32
    return %add3A_0, %c0_i32 : i32, i32
  }
  func.func @transform_1(%arg0: i32) -> (i32, i32) {
    %c0_i32 = arith.constant 0 : i32
    %c0_i32_0 = arith.constant 0 : i32
    %c0_i32_1 = arith.constant 0 : i32
    return %c0_i32, %c0_i32_0 : i32, i32
  }
  func.func @transform_2(%arg0: i32) -> (i32, i32) {
    %c0_i32 = arith.constant 0 : i32
    %c0_i32_0 = arith.constant 0 : i32
    return %arg0, %c0_i32 : i32, i32
  }
}

module attributes {stable_mosaic.version = 14 : i64} {
  func.func @_refine_block(%arg0: i32, %arg1: memref<1024x64xf32, #tpu.memory_space<vmem>>, %arg2: memref<1024x128xf32, #tpu.memory_space<vmem>>, %arg3: memref<1024x128xf32, #tpu.memory_space<vmem>>, %arg4: memref<1024x1xi32, #tpu.memory_space<vmem>>, %arg5: memref<1024x1xi32, #tpu.memory_space<vmem>>, %arg6: memref<1024x1xi32, #tpu.memory_space<vmem>>, %arg7: memref<1024x64xf32, #tpu.memory_space<vmem>>, %arg8: memref<1x1xf32, #tpu.memory_space<vmem>>) attributes {dimension_semantics = [#tpu.dimension_semantics<arbitrary>], iteration_bounds = array<i64: 5>, scalar_prefetch = 0 : i64, scratch_operands = 0 : i64, tpu.core_type = #tpu.core_type<tc>, window_params = [{transform_indices = @transform_0, window_bounds = array<i64: 1024, 64>}, {transform_indices = @transform_1, window_bounds = array<i64: 1024, 128>}, {transform_indices = @transform_2, window_bounds = array<i64: 1024, 128>}, {transform_indices = @transform_3, window_bounds = array<i64: 1024, 1>}, {transform_indices = @transform_4, window_bounds = array<i64: 1024, 1>}, {transform_indices = @transform_5, window_bounds = array<i64: 1024, 1>}, {transform_indices = @transform_6, window_bounds = array<i64: 1024, 64>}, {pipeline_mode = #tpu.pipeline_mode<synchronous>, transform_indices = @transform_7, window_bounds = array<i64: 1, 1>}]} {
    %get3A = arith.constant 0 : index
    %get3A_0 = arith.constant 0 : index
    %get3A_1 = vector.load %arg1[%get3A, %get3A_0] : memref<1024x64xf32, #tpu.memory_space<vmem>>, vector<1024x64xf32>
    %get3A_2 = arith.constant 0 : index
    %get3A_3 = arith.constant 0 : index
    %get3A_4 = vector.load %arg2[%get3A_2, %get3A_3] : memref<1024x128xf32, #tpu.memory_space<vmem>>, vector<1024x64xf32>
    %get3A_5 = arith.constant 0 : index
    %get3A_6 = arith.constant 0 : index
    %get3A_7 = vector.load %arg3[%get3A_5, %get3A_6] : memref<1024x128xf32, #tpu.memory_space<vmem>>, vector<1024x64xf32>
    %sub3A = arith.subf %get3A_1, %get3A_4 : vector<1024x64xf32>
    %mul3A = arith.mulf %sub3A, %sub3A : vector<1024x64xf32>
    %mul3A_8 = arith.mulf %mul3A, %mul3A : vector<1024x64xf32>
    %reduce_sum3A = arith.constant dense<0.000000e+00> : vector<1024xf32>
    %reduce_sum3A_9 = vector.multi_reduction <add>, %mul3A_8, %reduce_sum3A [1] : vector<1024x64xf32> to vector<1024xf32>
    %broadcast_in_dim3A = vector.shape_cast %reduce_sum3A_9 : vector<1024xf32> to vector<1024x1xf32>
    %sub3A_10 = arith.subf %get3A_1, %get3A_7 : vector<1024x64xf32>
    %mul3A_11 = arith.mulf %sub3A_10, %sub3A_10 : vector<1024x64xf32>
    %mul3A_12 = arith.mulf %mul3A_11, %mul3A_11 : vector<1024x64xf32>
    %reduce_sum3A_13 = arith.constant dense<0.000000e+00> : vector<1024xf32>
    %reduce_sum3A_14 = vector.multi_reduction <add>, %mul3A_12, %reduce_sum3A_13 [1] : vector<1024x64xf32> to vector<1024xf32>
    %broadcast_in_dim3A_15 = vector.shape_cast %reduce_sum3A_14 : vector<1024xf32> to vector<1024x1xf32>
    %get3A_16 = arith.constant 0 : index
    %get3A_17 = arith.constant 0 : index
    %get3A_18 = vector.load %arg4[%get3A_16, %get3A_17] : memref<1024x1xi32, #tpu.memory_space<vmem>>, vector<1024x1xi32>
    %get3A_19 = arith.constant 0 : index
    %get3A_20 = arith.constant 0 : index
    %get3A_21 = vector.load %arg5[%get3A_19, %get3A_20] : memref<1024x1xi32, #tpu.memory_space<vmem>>, vector<1024x1xi32>
    %lt3A = arith.cmpf olt, %broadcast_in_dim3A_15, %broadcast_in_dim3A : vector<1024x1xf32>
    %eq3A = arith.cmpf oeq, %broadcast_in_dim3A_15, %broadcast_in_dim3A : vector<1024x1xf32>
    %lt3A_22 = arith.cmpi slt, %get3A_21, %get3A_18 : vector<1024x1xi32>
    %and3A = arith.andi %eq3A, %lt3A_22 : vector<1024x1xi1>
    %or3A = arith.ori %lt3A, %and3A : vector<1024x1xi1>
    %select_n3A = arith.select %or3A, %get3A_21, %get3A_18 : vector<1024x1xi1>, vector<1024x1xi32>
    %swap3A = arith.constant 0 : index
    %swap3A_23 = arith.constant 0 : index
    %swap3A_24 = vector.load %arg6[%swap3A, %swap3A_23] : memref<1024x1xi32, #tpu.memory_space<vmem>>, vector<1024x1xi32>
    tpu.vector_store %arg6[%swap3A, %swap3A_23], %select_n3A {strides = array<i32>} : memref<1024x1xi32, #tpu.memory_space<vmem>>, vector<1024x1xi32>,
    %broadcast_in_dim3A_25 = vector.shape_cast %or3A : vector<1024x1xi1> to vector<1024x1xi1>
    %broadcast_in_dim3A_26 = vector.broadcast %broadcast_in_dim3A_25 : vector<1024x1xi1> to vector<1024x64xi1>
    %select_n3A_27 = arith.select %broadcast_in_dim3A_26, %get3A_7, %get3A_4 : vector<1024x64xi1>, vector<1024x64xf32>
    %sub3A_28 = arith.subf %select_n3A_27, %get3A_1 : vector<1024x64xf32>
    %add3A = arith.addf %get3A_1, %sub3A_28 : vector<1024x64xf32>
    %swap3A_29 = arith.constant 0 : index
    %swap3A_30 = arith.constant 0 : index
    %swap3A_31 = vector.load %arg7[%swap3A_29, %swap3A_30] : memref<1024x64xf32, #tpu.memory_space<vmem>>, vector<1024x64xf32>
    tpu.vector_store %arg7[%swap3A_29, %swap3A_30], %add3A {strides = array<i32>} : memref<1024x64xf32, #tpu.memory_space<vmem>>, vector<1024x64xf32>,
    %mul3A_32 = arith.mulf %sub3A_28, %sub3A_28 : vector<1024x64xf32>
    %reduce_sum3A_33 = vector.shape_cast %mul3A_32 : vector<1024x64xf32> to vector<1x1024x64xf32>
    %reduce_sum3A_34 = arith.constant dense<0.000000e+00> : vector<1xf32>
    %reduce_sum3A_35 = vector.multi_reduction <add>, %reduce_sum3A_33, %reduce_sum3A_34 [1, 2] : vector<1x1024x64xf32> to vector<1xf32>
    %reduce_sum3A_36 = vector.shape_cast %reduce_sum3A_35 : vector<1xf32> to vector<1x1x1xf32>
    %reduce_sum3A_37 = vector.extract %reduce_sum3A_36[0, 0, 0] : f32 from vector<1x1x1xf32>
    %broadcast_in_dim3A_38 = vector.broadcast %reduce_sum3A_37 : f32 to vector<1x1xf32>
    %eq3A_39 = arith.constant 0 : i32
    %eq3A_40 = arith.cmpi eq, %arg0, %eq3A_39 : i32
    %broadcast_in_dim3A_41 = arith.constant 0.000000e+00 : f32
    %broadcast_in_dim3A_42 = vector.broadcast %broadcast_in_dim3A_41 : f32 to vector<1x1xf32>
    %get3A_43 = arith.constant 0 : index
    %get3A_44 = arith.constant 0 : index
    %get3A_45 = vector.load %arg8[%get3A_43, %get3A_44] : memref<1x1xf32, #tpu.memory_space<vmem>>, vector<1x1xf32>
    %select_n3A_46 = arith.select %eq3A_40, %broadcast_in_dim3A_42, %get3A_45 : vector<1x1xf32>
    %add3A_47 = arith.addf %select_n3A_46, %broadcast_in_dim3A_38 : vector<1x1xf32>
    %swap3A_48 = arith.constant 0 : index
    %swap3A_49 = arith.constant 0 : index
    %swap3A_50 = vector.load %arg8[%swap3A_48, %swap3A_49] : memref<1x1xf32, #tpu.memory_space<vmem>>, vector<1x1xf32>
    tpu.vector_store %arg8[%swap3A_48, %swap3A_49], %add3A_47 {strides = array<i32>} : memref<1x1xf32, #tpu.memory_space<vmem>>, vector<1x1xf32>,
    return
  }
  func.func @transform_0(%arg0: i32) -> (i32, i32) {
    %add3A = arith.constant 0 : i32
    %add3A_0 = arith.addi %arg0, %add3A : i32
    %c0_i32 = arith.constant 0 : i32
    %c0_i32_1 = arith.constant 0 : i32
    return %add3A_0, %c0_i32 : i32, i32
  }
  func.func @transform_1(%arg0: i32) -> (i32, i32) {
    %mul3A = arith.constant 2 : i32
    %mul3A_0 = arith.muli %mul3A, %arg0 : i32
    %c0_i32 = arith.constant 0 : i32
    %c0_i32_1 = arith.constant 0 : i32
    return %mul3A_0, %c0_i32 : i32, i32
  }
  func.func @transform_2(%arg0: i32) -> (i32, i32) {
    %mul3A = arith.constant 2 : i32
    %mul3A_0 = arith.muli %mul3A, %arg0 : i32
    %add3A = arith.constant 1 : i32
    %add3A_1 = arith.addi %mul3A_0, %add3A : i32
    %c0_i32 = arith.constant 0 : i32
    %c0_i32_2 = arith.constant 0 : i32
    return %add3A_1, %c0_i32 : i32, i32
  }
  func.func @transform_3(%arg0: i32) -> (i32, i32) {
    %mul3A = arith.constant 2 : i32
    %mul3A_0 = arith.muli %mul3A, %arg0 : i32
    %c0_i32 = arith.constant 0 : i32
    %c0_i32_1 = arith.constant 0 : i32
    return %mul3A_0, %c0_i32 : i32, i32
  }
  func.func @transform_4(%arg0: i32) -> (i32, i32) {
    %mul3A = arith.constant 2 : i32
    %mul3A_0 = arith.muli %mul3A, %arg0 : i32
    %add3A = arith.constant 1 : i32
    %add3A_1 = arith.addi %mul3A_0, %add3A : i32
    %c0_i32 = arith.constant 0 : i32
    %c0_i32_2 = arith.constant 0 : i32
    return %add3A_1, %c0_i32 : i32, i32
  }
  func.func @transform_5(%arg0: i32) -> (i32, i32) {
    %c0_i32 = arith.constant 0 : i32
    %c0_i32_0 = arith.constant 0 : i32
    return %arg0, %c0_i32 : i32, i32
  }
  func.func @transform_6(%arg0: i32) -> (i32, i32) {
    %c0_i32 = arith.constant 0 : i32
    %c0_i32_0 = arith.constant 0 : i32
    return %arg0, %c0_i32 : i32, i32
  }
  func.func @transform_7(%arg0: i32) -> (i32, i32) {
    %c0_i32 = arith.constant 0 : i32
    %c0_i32_0 = arith.constant 0 : i32
    %c0_i32_1 = arith.constant 0 : i32
    return %c0_i32, %c0_i32_0 : i32, i32
  }
}

module attributes {stable_mosaic.version = 14 : i64} {
  func.func @_refine_block(%arg0: i32, %arg1: memref<1024x64xf32, #tpu.memory_space<vmem>>, %arg2: memref<1024x128xf32, #tpu.memory_space<vmem>>, %arg3: memref<1024x128xf32, #tpu.memory_space<vmem>>, %arg4: memref<1024x1xi32, #tpu.memory_space<vmem>>, %arg5: memref<1024x1xi32, #tpu.memory_space<vmem>>, %arg6: memref<1024x1xi32, #tpu.memory_space<vmem>>, %arg7: memref<1024x64xf32, #tpu.memory_space<vmem>>, %arg8: memref<1x1xf32, #tpu.memory_space<vmem>>) attributes {dimension_semantics = [#tpu.dimension_semantics<arbitrary>], iteration_bounds = array<i64: 4>, scalar_prefetch = 0 : i64, scratch_operands = 0 : i64, tpu.core_type = #tpu.core_type<tc>, window_params = [{transform_indices = @transform_0, window_bounds = array<i64: 1024, 64>}, {transform_indices = @transform_1, window_bounds = array<i64: 1024, 128>}, {transform_indices = @transform_2, window_bounds = array<i64: 1024, 128>}, {transform_indices = @transform_3, window_bounds = array<i64: 1024, 1>}, {transform_indices = @transform_4, window_bounds = array<i64: 1024, 1>}, {transform_indices = @transform_5, window_bounds = array<i64: 1024, 1>}, {transform_indices = @transform_6, window_bounds = array<i64: 1024, 64>}, {pipeline_mode = #tpu.pipeline_mode<synchronous>, transform_indices = @transform_7, window_bounds = array<i64: 1, 1>}]} {
    %get3A = arith.constant 0 : index
    %get3A_0 = arith.constant 0 : index
    %get3A_1 = vector.load %arg1[%get3A, %get3A_0] : memref<1024x64xf32, #tpu.memory_space<vmem>>, vector<1024x64xf32>
    %get3A_2 = arith.constant 0 : index
    %get3A_3 = arith.constant 0 : index
    %get3A_4 = vector.load %arg2[%get3A_2, %get3A_3] : memref<1024x128xf32, #tpu.memory_space<vmem>>, vector<1024x64xf32>
    %get3A_5 = arith.constant 0 : index
    %get3A_6 = arith.constant 0 : index
    %get3A_7 = vector.load %arg3[%get3A_5, %get3A_6] : memref<1024x128xf32, #tpu.memory_space<vmem>>, vector<1024x64xf32>
    %sub3A = arith.subf %get3A_1, %get3A_4 : vector<1024x64xf32>
    %mul3A = arith.mulf %sub3A, %sub3A : vector<1024x64xf32>
    %mul3A_8 = arith.mulf %mul3A, %mul3A : vector<1024x64xf32>
    %reduce_sum3A = arith.constant dense<0.000000e+00> : vector<1024xf32>
    %reduce_sum3A_9 = vector.multi_reduction <add>, %mul3A_8, %reduce_sum3A [1] : vector<1024x64xf32> to vector<1024xf32>
    %broadcast_in_dim3A = vector.shape_cast %reduce_sum3A_9 : vector<1024xf32> to vector<1024x1xf32>
    %sub3A_10 = arith.subf %get3A_1, %get3A_7 : vector<1024x64xf32>
    %mul3A_11 = arith.mulf %sub3A_10, %sub3A_10 : vector<1024x64xf32>
    %mul3A_12 = arith.mulf %mul3A_11, %mul3A_11 : vector<1024x64xf32>
    %reduce_sum3A_13 = arith.constant dense<0.000000e+00> : vector<1024xf32>
    %reduce_sum3A_14 = vector.multi_reduction <add>, %mul3A_12, %reduce_sum3A_13 [1] : vector<1024x64xf32> to vector<1024xf32>
    %broadcast_in_dim3A_15 = vector.shape_cast %reduce_sum3A_14 : vector<1024xf32> to vector<1024x1xf32>
    %get3A_16 = arith.constant 0 : index
    %get3A_17 = arith.constant 0 : index
    %get3A_18 = vector.load %arg4[%get3A_16, %get3A_17] : memref<1024x1xi32, #tpu.memory_space<vmem>>, vector<1024x1xi32>
    %get3A_19 = arith.constant 0 : index
    %get3A_20 = arith.constant 0 : index
    %get3A_21 = vector.load %arg5[%get3A_19, %get3A_20] : memref<1024x1xi32, #tpu.memory_space<vmem>>, vector<1024x1xi32>
    %lt3A = arith.cmpf olt, %broadcast_in_dim3A_15, %broadcast_in_dim3A : vector<1024x1xf32>
    %eq3A = arith.cmpf oeq, %broadcast_in_dim3A_15, %broadcast_in_dim3A : vector<1024x1xf32>
    %lt3A_22 = arith.cmpi slt, %get3A_21, %get3A_18 : vector<1024x1xi32>
    %and3A = arith.andi %eq3A, %lt3A_22 : vector<1024x1xi1>
    %or3A = arith.ori %lt3A, %and3A : vector<1024x1xi1>
    %select_n3A = arith.select %or3A, %get3A_21, %get3A_18 : vector<1024x1xi1>, vector<1024x1xi32>
    %swap3A = arith.constant 0 : index
    %swap3A_23 = arith.constant 0 : index
    %swap3A_24 = vector.load %arg6[%swap3A, %swap3A_23] : memref<1024x1xi32, #tpu.memory_space<vmem>>, vector<1024x1xi32>
    tpu.vector_store %arg6[%swap3A, %swap3A_23], %select_n3A {strides = array<i32>} : memref<1024x1xi32, #tpu.memory_space<vmem>>, vector<1024x1xi32>,
    %broadcast_in_dim3A_25 = vector.shape_cast %or3A : vector<1024x1xi1> to vector<1024x1xi1>
    %broadcast_in_dim3A_26 = vector.broadcast %broadcast_in_dim3A_25 : vector<1024x1xi1> to vector<1024x64xi1>
    %select_n3A_27 = arith.select %broadcast_in_dim3A_26, %get3A_7, %get3A_4 : vector<1024x64xi1>, vector<1024x64xf32>
    %sub3A_28 = arith.subf %select_n3A_27, %get3A_1 : vector<1024x64xf32>
    %add3A = arith.addf %get3A_1, %sub3A_28 : vector<1024x64xf32>
    %swap3A_29 = arith.constant 0 : index
    %swap3A_30 = arith.constant 0 : index
    %swap3A_31 = vector.load %arg7[%swap3A_29, %swap3A_30] : memref<1024x64xf32, #tpu.memory_space<vmem>>, vector<1024x64xf32>
    tpu.vector_store %arg7[%swap3A_29, %swap3A_30], %add3A {strides = array<i32>} : memref<1024x64xf32, #tpu.memory_space<vmem>>, vector<1024x64xf32>,
    %mul3A_32 = arith.mulf %sub3A_28, %sub3A_28 : vector<1024x64xf32>
    %reduce_sum3A_33 = vector.shape_cast %mul3A_32 : vector<1024x64xf32> to vector<1x1024x64xf32>
    %reduce_sum3A_34 = arith.constant dense<0.000000e+00> : vector<1xf32>
    %reduce_sum3A_35 = vector.multi_reduction <add>, %reduce_sum3A_33, %reduce_sum3A_34 [1, 2] : vector<1x1024x64xf32> to vector<1xf32>
    %reduce_sum3A_36 = vector.shape_cast %reduce_sum3A_35 : vector<1xf32> to vector<1x1x1xf32>
    %reduce_sum3A_37 = vector.extract %reduce_sum3A_36[0, 0, 0] : f32 from vector<1x1x1xf32>
    %broadcast_in_dim3A_38 = vector.broadcast %reduce_sum3A_37 : f32 to vector<1x1xf32>
    %eq3A_39 = arith.constant 0 : i32
    %eq3A_40 = arith.cmpi eq, %arg0, %eq3A_39 : i32
    %broadcast_in_dim3A_41 = arith.constant 0.000000e+00 : f32
    %broadcast_in_dim3A_42 = vector.broadcast %broadcast_in_dim3A_41 : f32 to vector<1x1xf32>
    %get3A_43 = arith.constant 0 : index
    %get3A_44 = arith.constant 0 : index
    %get3A_45 = vector.load %arg8[%get3A_43, %get3A_44] : memref<1x1xf32, #tpu.memory_space<vmem>>, vector<1x1xf32>
    %select_n3A_46 = arith.select %eq3A_40, %broadcast_in_dim3A_42, %get3A_45 : vector<1x1xf32>
    %add3A_47 = arith.addf %select_n3A_46, %broadcast_in_dim3A_38 : vector<1x1xf32>
    %swap3A_48 = arith.constant 0 : index
    %swap3A_49 = arith.constant 0 : index
    %swap3A_50 = vector.load %arg8[%swap3A_48, %swap3A_49] : memref<1x1xf32, #tpu.memory_space<vmem>>, vector<1x1xf32>
    tpu.vector_store %arg8[%swap3A_48, %swap3A_49], %add3A_47 {strides = array<i32>} : memref<1x1xf32, #tpu.memory_space<vmem>>, vector<1x1xf32>,
    return
  }
  func.func @transform_0(%arg0: i32) -> (i32, i32) {
    %add3A = arith.constant 5 : i32
    %add3A_0 = arith.addi %arg0, %add3A : i32
    %c0_i32 = arith.constant 0 : i32
    %c0_i32_1 = arith.constant 0 : i32
    return %add3A_0, %c0_i32 : i32, i32
  }
  func.func @transform_1(%arg0: i32) -> (i32, i32) {
    %mul3A = arith.constant 2 : i32
    %mul3A_0 = arith.muli %mul3A, %arg0 : i32
    %c0_i32 = arith.constant 0 : i32
    %c0_i32_1 = arith.constant 0 : i32
    return %mul3A_0, %c0_i32 : i32, i32
  }
  func.func @transform_2(%arg0: i32) -> (i32, i32) {
    %mul3A = arith.constant 2 : i32
    %mul3A_0 = arith.muli %mul3A, %arg0 : i32
    %add3A = arith.constant 1 : i32
    %add3A_1 = arith.addi %mul3A_0, %add3A : i32
    %c0_i32 = arith.constant 0 : i32
    %c0_i32_2 = arith.constant 0 : i32
    return %add3A_1, %c0_i32 : i32, i32
  }
  func.func @transform_3(%arg0: i32) -> (i32, i32) {
    %mul3A = arith.constant 2 : i32
    %mul3A_0 = arith.muli %mul3A, %arg0 : i32
    %c0_i32 = arith.constant 0 : i32
    %c0_i32_1 = arith.constant 0 : i32
    return %mul3A_0, %c0_i32 : i32, i32
  }
  func.func @transform_4(%arg0: i32) -> (i32, i32) {
    %mul3A = arith.constant 2 : i32
    %mul3A_0 = arith.muli %mul3A, %arg0 : i32
    %add3A = arith.constant 1 : i32
    %add3A_1 = arith.addi %mul3A_0, %add3A : i32
    %c0_i32 = arith.constant 0 : i32
    %c0_i32_2 = arith.constant 0 : i32
    return %add3A_1, %c0_i32 : i32, i32
  }
  func.func @transform_5(%arg0: i32) -> (i32, i32) {
    %c0_i32 = arith.constant 0 : i32
    %c0_i32_0 = arith.constant 0 : i32
    return %arg0, %c0_i32 : i32, i32
  }
  func.func @transform_6(%arg0: i32) -> (i32, i32) {
    %c0_i32 = arith.constant 0 : i32
    %c0_i32_0 = arith.constant 0 : i32
    return %arg0, %c0_i32 : i32, i32
  }
  func.func @transform_7(%arg0: i32) -> (i32, i32) {
    %c0_i32 = arith.constant 0 : i32
    %c0_i32_0 = arith.constant 0 : i32
    %c0_i32_1 = arith.constant 0 : i32
    return %c0_i32, %c0_i32_0 : i32, i32
  }
}

</mosaic_0001>

<sc_bundles>
// kernel: kernel.11.cloned.1.call-start
scs
__scs_entry_jumppad:
0x0: {  	(pc) =	sbr.rel $0x88, $3  }
0x1: {  	(tag) =	ssettag $0x0;
	lr =	simm.s32 $0x1  }
0x2: {  	[smem:$0x3F9F] =	sst lr;
	_ =	strace $0xD0000000  }
0x3: {  	_ = 	snop  }
0x4: {  	_ = 	snop  }
0x5: {  	_ = 	snop  }
0x6: {  	_ = 	snop  }
0x7: {  	_ = 	snop  }
__scs_overlays_trampoline_lowered:
0x8: {  	[smem:$0x3FAE] =	sst s0  }
0x9: {  	[smem:$0x3FAF] =	sst s1  }
0xa: {  	[smem:$0x3FB0] =	sst s2  }
0xb: {  	[smem:$0x3FB1] =	sst s3  }
0xc: {  	[smem:$0x3FB2] =	sst s4  }
0xd: {  	[smem:$0x3FB3] =	sst s5  }
0xe: {  	[smem:$0x3FB4] =	sst s6  }
0xf: {  	[smem:$0x3FB5] =	sst s7  }
0x10: {  	[smem:$0x3FB6] =	sst s8  }
0x11: {  	[smem:$0x3FB7] =	sst s9;
	s0 =	simm.s32 @!p0 $0x0  }
0x12: {  	s1 =	sld [smem:$0x3F9D];
	s0 =	simm.s32 @p0 $0x1  }
0x13: {  	[smem:$0x3FB8] =	sst s0;
	s0 =	simm.s32 @!p1 $0x0  }
0x14: {  	s2 =	sld [smem:$0x3F9C];
	s0 =	simm.s32 @p1 $0x1  }
0x15: {  	[smem:$0x3FB9] =	sst s0;
	s0 =	simm.s32 @!p2 $0x0  }
0x16: {  	s3 =	sld [smem:$0x3FDB];
	s0 =	simm.s32 @p2 $0x1  }
0x17: {  	s4 =	simm.s32 $0x1BF5;
	[smem:$0x3FBB] =	sst s0  }
0x18: {  	s0 =	sld [smem:$0x3F9E];
	_ =	swait.ge [sflag:s4], $0x0  }
0x19: {  	s7 =	sld [smem:$0x3F9F]  }
0x1a: {  	s8 =	sadd.s32 $0xFFFFE003, lr  }
0x1b: {  	s9 =	sadd.s32 $0xFFFFFEF7, lr;
	s5 =	simm.s32 $0xFFFFFFFF;
	p2 =	slt.u32 s8, $0xFFFFF086  }
0x1c: {  	p1 =	slt.u32 s9, $0xF7A;
	s5 =	simm.s32 @!p2 $0x0  }
0x1d: {  	s5 =	simm.s32 @p1 $0x1;
	p0 =	seq.s32 s7, s2  }
0x1e: {  	s7 =	smul.u32 @!p0 $0xF7A, s2;
	p2 =	seq.s32 @!p0 s5, $0x0  }
0x1f: {  	s9 =	smul.u32 $0xF7A, s1;
	s8 =	simm.s32 @!p0 $0x1BF5;
	p2 =	por !p2, p0  }
0x20: {  	[sflag:s8] =	ssyncset.s32 @!p0 $0xFFFFF086;
	s6 =	sadd.s32 @!p0 s3, s7;
	s7 =	simm.s32 @!p0 $0x108  }
0x21: {  	s3 =	sadd.s32 s3, s9;
	s6 =	sadd.s32 @!p0 $0x88, s6;
	s7 =	simm.s32 @p2 $0x1082  }
0x22: {  	[simem:s7], [sflag:s8] =	dma.local @!p0 [hbm:s6], $0xF7A  }
0x23: {  	s9 =	sor.u32 $0xD0000000, s2;
	s6 =	simm.s32 $0x108;
	_ =	swait.ge @!p0 [sflag:s8], $0x0  }
0x24: {  	s3 =	sadd.s32 $0x88, s3;
	s6 =	simm.s32 @!p1 $0x1082;
	[sflag:s4] =	ssyncset.s32 $0xFFFFF086  }
0x25: {  	[simem:s6], [sflag:s4] =	dma.local [hbm:s3], $0xF7A  }
0x26: {  	[smem:$0x3F9F] =	sst s1;
	(tag) =	ssettag s2;
	_ =	strace s9  }
0x27: {  	s1 =	sld [smem:$0x3FAF]  }
0x28: {  	s2 =	sld [smem:$0x3FB0]  }
0x29: {  	s4 =	sld [smem:$0x3FB2]  }
0x2a: {  	p0 =	seq.s32 s5, $0x0;
	s5 =	sld [smem:$0x3FB3]  }
0x2b: {  	s6 =	sld [smem:$0x3FB4]  }
0x2c: {  	s7 =	sld [smem:$0x3FB5]  }
0x2d: {  	s3 =	simm.s32 $0x108;
	s8 =	sld [smem:$0x3FB6]  }
0x2e: {  	s3 =	simm.s32 @!p0 $0x1082;
	s9 =	sld [smem:$0x3FB7]  }
0x2f: {  	lr =	sadd.s32 s0, s3;
	s0 =	sld [smem:$0x3FAE]  }
0x30: {  	s3 =	sld [smem:$0x3FB1]  }
0x31: {  	[smem:$0x3FBA] =	sst s10  }
0x32: {  	s10 =	sld [smem:$0x3FB8];
	_ =	sdelay $0x3  }
0x33: {  	p0 =	seq.s32 s10, $0x1;
	s10 =	sld [smem:$0x3FBA];
	_ =	sdelay $0x3  }
0x34: {  	[smem:$0x3FBA] =	sst s10  }
0x35: {  	s10 =	sld [smem:$0x3FB9];
	_ =	sdelay $0x3  }
0x36: {  	p1 =	seq.s32 s10, $0x1;
	s10 =	sld [smem:$0x3FBA];
	_ =	sdelay $0x3  }
0x37: {  	[smem:$0x3FBA] =	sst s10  }
0x38: {  	s10 =	sld [smem:$0x3FBB]  }
0x39: {  	_ = 	snop;
	(pc) =	sbr.ind lr, $3  }
0x3a: {  	_ = 	snop  }
0x3b: {  	_ = 	snop  }
0x3c: {  	p2 =	seq.s32 s10, $0x1;
	s10 =	sld [smem:$0x3FBA]  }
0x3d: {  	_ =	shalt  }
0x3e: {  	_ =	shalt  }
0x3f: {  	_ =	shalt  }
0x40: {  	_ =	shalt  }
0x41: {  	_ =	shalt  }
0x42: {  	_ =	shalt  }
0x43: {  	_ =	shalt  }
0x44: {  	_ =	shalt  }
0x45: {  	_ =	shalt  }
0x46: {  	_ =	shalt  }
0x47: {  	_ =	shalt  }
0x48: {  	_ =	shalt  }
0x49: {  	_ =	shalt  }
0x4a: {  	_ =	shalt  }
0x4b: {  	_ =	shalt  }
0x4c: {  	_ =	shalt  }
0x4d: {  	_ =	shalt  }
0x4e: {  	_ =	shalt  }
0x4f: {  	_ =	shalt  }
0x50: {  	_ =	shalt  }
0x51: {  	_ =	shalt  }
0x52: {  	_ =	shalt  }
0x53: {  	_ =	shalt  }
0x54: {  	_ =	shalt  }
0x55: {  	_ =	shalt  }
0x56: {  	_ =	shalt  }
0x57: {  	_ =	shalt  }
0x58: {  	_ =	shalt  }
0x59: {  	_ =	shalt  }
0x5a: {  	_ =	shalt  }
0x5b: {  	_ =	shalt  }
0x5c: {  	_ =	shalt  }
0x5d: {  	_ =	shalt  }
0x5e: {  	_ =	shalt  }
0x5f: {  	_ =	shalt  }
0x60: {  	_ =	shalt  }
0x61: {  	_ =	shalt  }
0x62: {  	_ =	shalt  }
0x63: {  	_ =	shalt  }
0x64: {  	_ =	shalt  }
0x65: {  	_ =	shalt  }
0x66: {  	_ =	shalt  }
0x67: {  	_ =	shalt  }
0x68: {  	_ =	shalt  }
0x69: {  	_ =	shalt  }
0x6a: {  	_ =	shalt  }
0x6b: {  	_ =	shalt  }
0x6c: {  	_ =	shalt  }
0x6d: {  	_ =	shalt  }
0x6e: {  	_ =	shalt  }
0x6f: {  	_ =	shalt  }
0x70: {  	_ =	shalt  }
0x71: {  	_ =	shalt  }
0x72: {  	_ =	shalt  }
0x73: {  	_ =	shalt  }
0x74: {  	_ =	shalt  }
0x75: {  	_ =	shalt  }
0x76: {  	_ =	shalt  }
0x77: {  	_ =	shalt  }
0x78: {  	_ =	shalt  }
0x79: {  	_ =	shalt  }
0x7a: {  	_ =	shalt  }
0x7b: {  	_ =	shalt  }
0x7c: {  	_ =	shalt  }
0x7d: {  	_ =	shalt  }
0x7e: {  	_ =	shalt  }
0x7f: {  	_ =	shalt  }
0x80: {  	_ =	shalt  }
0x81: {  	_ =	shalt  }
0x82: {  	_ =	shalt  }
0x83: {  	_ =	shalt  }
0x84: {  	_ =	shalt  }
0x85: {  	_ =	shalt  }
0x86: {  	_ =	shalt  }
0x87: {  	_ =	shalt  }
.Lfunc_end0:
.L_simem_size_0:
called_computation.1_lowered:
.L_overlay_start_0:
0x88: {  	s2 =	sld [smem:$0x3FD9]  }
0x89: {  	s3 =	sld [smem:$0x3FFE];
	_ =	sdelay $0x1  }
0x8a: {  	s1 =	srdreg.scid  }
0x8b: {  	s0 =	sand.u32 $0x1, s1  }
0x8c: {  	s17 =	sshll.u32 s0, $0xA;
	s2 =	sadd.s32 s3, s2  }
0x8d: {  	s2 =	sadd.s32 s2, s17  }
0x8e: {  	[smem:$0x3FC6] =	sst s2  }
0x8f: {  	_ = 	snop  }
0x90: {  	(tm) =	ssettm $0x1  }
0x91: {  	s18 =	sld [smem:$0x3FFB];
	_ =	sdelay $0x3  }
0x92: {  	_ =	strace s18  }
0x93: {  	s2 =	sld [smem:$0x3FFC];
	_ =	sdelay $0x3  }
0x94: {  	_ =	strace s2  }
0x95: {  	s2 =	sld [smem:$0x3FFD];
	_ =	sdelay $0x3  }
0x96: {  	_ =	strace s2  }
0x97: {  	_ =	strace $0x8FFFFFFF  }
0x98: {  	s19 =	sld [smem:$0x3FDB];
	_ =	sdelay $0x1  }
0x99: {  	s20 =	simm.s32 $_scs_section_size  }
0x9a: {  	s4 =	simm.s32 $_size__tile_overlayer_lowered;
	s5 =	simm.s32 $_tile_overlayer_lowered  }
0x9b: {  	s6 =	simm.s32 $0x1BFF;
	s21 =	sshll.u32 s5, $0x1;
	s3 =	sadd.s32 s20, s19  }
0x9c: {  	s22 =	simm.s32 $0x0;
	s4 =	sshll.u32 s4, $0x1;
	s5 =	sadd.s32 s21, s3  }
0x9d: {  	[timem:s22], [sflag:s6] =	dma.local [hbm:s5], s4  }
0x9e: {  	_ =	swait.ge [sflag:s6], s4  }
0x9f: {  	s4 =	ssub.s32 $0x0, s4;
	[sflag:s6] =	ssyncset.done $0x0  }
0xa0: {  	[sflag:s6] =	ssyncadd.s32 s4;
	_ =	sdelay $0x1  }
0xa1: {  	s23 =	simm.s32 $0x1B8B  }
0xa2: {  	_ =	swait.ge [sflag:s23], $0x1  }
0xa3: {  	[sflag:s23] =	ssyncset.done $0x0  }
0xa4: {  	[sflag:s23] =	ssyncadd.s32 $0xFFFFFFFF  }
0xa5: {  	s4 =	sld [smem:$0x0]  }
0xa6: {  	s5 =	sand.u32 $0xFFFFFFFE, s1  }
0xa7: {  	p0 =	sne.s32 s1, s5  }
0xa8: {  	s5 =	sshll.u32 @p0 s5, $0xE  }
0xa9: {  	s5 =	sadd.s32 @p0 $0x11B8D, s5;
	s6 =	sshll.u32 @p0 s4, $0x11  }
0xaa: {  	s5 =	sor.u32 @p0 s6, s5  }
0xab: {  	[sflag:s5] =	ssyncadd.remote.s32 @p0 $0x1;
	_ =	sdelay $0x1  }
0xac: {  	s5 =	simm.s32 @p0 $0x1B8D  }
0xad: {  	_ =	swait.eq @p0 [sflag:s5], $0x1  }
0xae: {  	[sflag:s5] =	ssyncadd.s32 @p0 $0xFFFFFFFF  }
0xaf: {  	s6 =	sshll.u32 @!p0 s1, $0xE  }
0xb0: {  	s6 =	sor.u32 @!p0 $0x4000, s6;
	s5 =	simm.s32 @!p0 $0x1B8D  }
0xb1: {  	s4 =	sshll.u32 @!p0 s4, $0x11;
	s6 =	sadd.s32 @!p0 $0x11B8D, s6;
	_ =	swait.eq @!p0 [sflag:s5], $0x1  }
0xb2: {  	s4 =	sor.u32 @!p0 s4, s6;
	[sflag:s5] =	ssyncadd.s32 @!p0 $0xFFFFFFFF  }
0xb3: {  	s25 =	simm.s32 $0x1B8E;
	s24 =	sld [smem:$0x3FFE];
	[sflag:s4] =	ssyncadd.remote.s32 @!p0 $0x1  }
0xb4: {  	s26 =	simm.s32 $execute0_lowered;
	[smem:$0x3FD2] =	sst s25  }
0xb5: {  	s5 =	sshll.u32 s26, $0x1;
	_ =	strace $0x80000049;
	[dreg:$0x1] =	wrdreg $0xFFFFFFFF  }
0xb6: {  	s28 =	simm.s32 $_size_execute0_lowered;
	s3 =	sadd.s32 s3, s5;
	[dreg:$0x0] =	wrdreg $0x0  }
0xb7: {  	s5 =	sshll.u32 s28, $0x1;
	[dreg:$0x2] =	wrdreg s3  }
0xb8: {  	[dreg:$0x3] =	wrdreg s5  }
0xb9: {  	[dreg:$0x4] =	wrdreg $0xC0  }
0xba: {  	_ =	task [dreg:s22], $0x5FFFF  }
0xbb: {  	[dreg:$0x1] =	wrdreg $0xFFFFFFFF  }
0xbc: {  	[dreg:$0x0] =	wrdreg $0x60  }
0xbd: {  	[dreg:$0x2] =	wrdreg s24  }
0xbe: {  	[dreg:$0x3] =	wrdreg $0xA  }
0xbf: {  	_ =	task.clear_ibuf [dreg:s22], $0x4FFFF;
	_ =	strace $0x90000049  }
0xc0: {  	s29 =	simm.s32 $0xA;
	_ =	strace $0x8000004B  }
0xc1: {  	_ =	swait.ge [sflag:s29], $0x1  }
0xc2: {  	[sflag:s29] =	ssyncadd.s32 $0xFFFFFFFF  }
0xc3: {  	_ =	strace $0x9000004B  }
0xc4: {  	_ =	sfence  }
0xc5: {  	s30 =	sld [smem:$0x0];
	_ =	sdelay $0x2  }
0xc6: {  	s31 =	sshll.u32 s1, $0xD;
	s1 =	sshrl.u32 s1, $0x2  }
0xc7: {  	s4 =	sand.u32 $0x4000, s31;
	s1 =	sadd.s32 s1, s30  }
0xc8: {  	s0 =	sor.u32 s4, s0;
	s1 =	sshll.u32 s1, $0x11  }
0xc9: {  	s0 =	sor.u32 s1, s0  }
0xca: {  	s0 =	sadd.s32 $0x8F2B, s0  }
0xcb: {  	[sflag:s0] =	ssyncadd.remote.s32 $0x1  }
0xcc: {  	_ =	sfence.sel $0xFFFF  }
0xcd: {  	[dreg:$0x0] =	wrdreg $0xFFFFFFFF;
	(pc) =	sbr.abs _section_cstart, $3  }
0xce: {  	[dreg:$0x1] =	wrdreg $0xFFFFFFFF  }
0xcf: {  	_ =	task.clear_ibuf [dreg:s22], $0x2FFFF;
	_ =	strace $0x9FFFFFFF  }
0xd0: {  	(tm) =	ssettm $0x7FFFFFFF  }
0xd1: {  	_ =	shalt  }
tec
execute0_lowered:
.L_overlay_start_1:
0x0: {  	(tag) =	ssettag $0x1  }
0x1: {  	s1 =	srdreg.scid  }
0x2: {  	s0 =	stileid.u32;
	s12 =	sand.u32 $0x1, s1  }
0x3: {  	s11 =	rddreg [dreg:$0x0];
	s3 =	sshll.u32 s0, $0x9;
	s4 =	sshll.u32 s12, $0x8  }
0x4: {  	s2 =	simm.s32 $0x0;
	s1 =	rddreg [dreg:$0x1];
	s13 =	sor.u32 s4, s3  }
0x5: {  	[smem:$0x7FF] =	sst s2;
	s5 =	sadd.s32 $0x2D000, s11;
	s3 =	sshrl.u32 s13, $0x3  }
0x6: {  	_ =	strace $0x8000004A;
	s4 =	sadd.s32 s5, s3;
	s3 =	simm.s32 $0x3  }
0x7: {  	[tilespmem:s2], [sflag:$0x3] =	stream.linear.gather [hbm4b:s4+s2], $0x80, $0x38;
	[tilespmem:$0x8100] =	vst v63  }
0x8: {  	s14 =	sor.u32 $0x80, s13;
	_ =	swait.ge [sflag:s3], $0x80  }
0x9: {  	s6 =	sshrl.u32 s14, $0x3;
	[sflag:s3] =	ssyncset.done $0x0  }
0xa: {  	s5 =	sadd.s32 s5, s6;
	s6 =	simm.s32 $0x80;
	[sflag:s3] =	ssyncadd.s32 $0xFFFFFF80  }
0xb: {  	[tilespmem:s6], [sflag:$0x3] =	stream.linear.gather [hbm4b:s5+s2], $0x80, $0x38;
	[tilespmem:$0x8100] =	vst v63  }
0xc: {  	_ =	swait.ge [sflag:s3], $0x80  }
0xd: {  	[sflag:s3] =	ssyncset.done $0x0  }
0xe: {  	s8 =	simm.s32 $0x100;
	s7 =	sadd.s32 $0x1000, s11;
	[sflag:s3] =	ssyncadd.s32 $0xFFFFFF80  }
0xf: {  	[tilespmem:s8], [sflag:$0x1] =	stream.indirect.gather [hbm4b:s7+s6], $0x80, s2, s6, $0xb8;
	[tilespmem:$0x8100] =	vst v63  }
0x10: {  	s9 =	simm.s32 $0x4100;
	s10 =	simm.s32 $0x1  }
0x11: {  	[tilespmem:s9], [sflag:$0x2] =	stream.indirect.gather [hbm4b:s7+s6], $0x80, s6, s6, $0xb8;
	[tilespmem:$0x8100] =	vst v63  }
0x12: {  	_ =	swait.ge [sflag:s10], $0x4000  }
0x13: {  	s15 =	sadd.s32 $0x2D400, s11;
	s28 =	sshll.u32 s13, $0x4;
	[sflag:s10] =	ssyncset.done $0x0  }
0x14: {  	s29 =	ssub.s32 $0x2, s12;
	s11 =	sadd.s32 s15, s28;
	[sflag:s10] =	ssyncadd.s32 $0xFFFFC000  }
0x15: {  	[hbm4b:s11+s2] =	stream.linear.scatter [tilespmem:s8], [sflag:$0x3], $0x4000, $0x38;
	[tilespmem:$0x8100] =	vst v63  }
0x16: {  	s16 =	sshrl.u32 s29, $0x1;
	_ =	swait.ge [sflag:s3], $0x4000  }
0x17: {  	s16 =	ssub.s32 s29, s16;
	[sflag:s3] =	ssyncset.done $0x0  }
0x18: {  	s12 =	simm.s32 $0x2;
	s31 =	smax.u32 s16, $0x1;
	[sflag:s3] =	ssyncadd.s32 $0xFFFFC000  }
0x19: {  	p0 =	sne.s32 s31, $0x1;
	_ =	swait.ge [sflag:s12], $0x4000  }
.Ltmp0:
0x1a: {  	s30 =	sshll.u32 s14, $0x4;
	[sflag:s12] =	ssyncset.done $0x0;
	(pc) =	sbr.rel @!p0 .LBB2_2-.Ltmp0, $4  }
0x1b: {  	s13 =	sadd.s32 s15, s30;
	[sflag:s12] =	ssyncadd.s32 $0xFFFFC000  }
0x1c: {  	[hbm4b:s13+s2] =	stream.linear.scatter [tilespmem:s9], [sflag:$0x3], $0x4000, $0x38;
	[tilespmem:$0x8100] =	vst v63  }
0x1d: {  	_ =	swait.ge [sflag:s3], $0x4000  }
0x1e: {  	s14 =	sadd.s32 $0xFFFFFFFF, s31;
	[sflag:s3] =	ssyncset.done $0x0  }
.LBB2_1:
0x1f: {  	p0 =	sne.s32 s14, $0x1;
	s14 =	sadd.s32 $0xFFFFFFFF, s14;
	[sflag:s3] =	ssyncadd.s32 $0xFFFFC000  }
0x20: {  	[tilespmem:s2], [sflag:$0x3] =	stream.linear.gather [hbm4b:s4+s2], $0x80, $0x38;
	[tilespmem:$0x8100] =	vst v63  }
0x21: {  	_ =	swait.ge [sflag:s3], $0x80  }
0x22: {  	[sflag:s3] =	ssyncset.done $0x0  }
0x23: {  	[sflag:s3] =	ssyncadd.s32 $0xFFFFFF80  }
0x24: {  	[tilespmem:s6], [sflag:$0x3] =	stream.linear.gather [hbm4b:s5+s2], $0x80, $0x38;
	[tilespmem:$0x8100] =	vst v63  }
0x25: {  	_ =	swait.ge [sflag:s3], $0x80  }
0x26: {  	[sflag:s3] =	ssyncset.done $0x0  }
0x27: {  	[sflag:s3] =	ssyncadd.s32 $0xFFFFFF80  }
0x28: {  	[tilespmem:s8], [sflag:$0x1] =	stream.indirect.gather [hbm4b:s7+s6], $0x80, s2, s6, $0xb8;
	[tilespmem:$0x8100] =	vst v63  }
0x29: {  	_ = 	snop  }
0x2a: {  	[tilespmem:s9], [sflag:$0x2] =	stream.indirect.gather [hbm4b:s7+s6], $0x80, s6, s6, $0xb8;
	[tilespmem:$0x8100] =	vst v63  }
0x2b: {  	_ =	swait.ge [sflag:s10], $0x4000  }
0x2c: {  	[sflag:s10] =	ssyncset.done $0x0  }
0x2d: {  	[sflag:s10] =	ssyncadd.s32 $0xFFFFC000  }
0x2e: {  	[hbm4b:s11+s2] =	stream.linear.scatter [tilespmem:s8], [sflag:$0x3], $0x4000, $0x38;
	[tilespmem:$0x8100] =	vst v63  }
0x2f: {  	_ =	swait.ge [sflag:s3], $0x4000  }
0x30: {  	[sflag:s3] =	ssyncset.done $0x0  }
0x31: {  	[sflag:s3] =	ssyncadd.s32 $0xFFFFC000  }
0x32: {  	_ =	swait.ge [sflag:s12], $0x4000  }
.Ltmp1:
0x33: {  	[sflag:s12] =	ssyncset.done $0x0;
	(pc) =	sbr.rel @p0 .LBB2_1-.Ltmp1, $4  }
0x34: {  	[sflag:s12] =	ssyncadd.s32 $0xFFFFC000  }
0x35: {  	[hbm4b:s13+s2] =	stream.linear.scatter [tilespmem:s9], [sflag:$0x3], $0x4000, $0x38;
	[tilespmem:$0x8100] =	vst v63  }
0x36: {  	_ =	swait.ge [sflag:s3], $0x4000  }
0x37: {  	[sflag:s3] =	ssyncset.done $0x0  }
.LBB2_2:
0x38: {  	[sflag:s3] =	ssyncadd.s32 $0xFFFFC000  }
0x39: {  	_ =	sfence.sel $0x180000  }
0x3a: {  	[bflag:$0x0] =	sbarrier.arrive $0xFFFF  }
0x3b: {  	p0 =	sne.s32 s0, $0x0;
	_ =	strace $0x9000004A  }
0x3c: {  	s0 =	sadd.s32 @!p0 $0x100000, s1;
	[bflag:$0x2] =	sbarrier.arrive $0xFFFF  }
0x3d: {  	[sflag:s0] =	ssyncadd.tile.s32 @!p0 $0x1;
	_ =	shalt  }
.Lfunc_end2:
_tile_overlayer_lowered:
.L_overlay_start_2:
0x3e: {  	(tag) =	ssettag $0x2  }
0x3f: {  	s0 =	rddreg [dreg:$0x0];
	s2 =	stileid.u32  }
0x40: {  	s1 =	rddreg [dreg:$0x1];
	p0 =	sne.s32 s2, $0x0  }
0x41: {  	s3 =	rddreg [dreg:$0x2];
	[bflag:$0x3] =	sbarrier.arrive $0xFFFF;
	s2 =	simm.s32 @!p0 $0x1C03  }
0x42: {  	[timem:s3], [sflag:s2] =	dma.local @!p0 [hbm:s0], s1  }
0x43: {  	s0 =	simm.s32 @!p0 $0x3  }
0x44: {  	_ =	swait.ge @!p0 [sflag:s0], s1  }
0x45: {  	s1 =	ssub.s32 @!p0 $0x0, s1;
	[sflag:s0] =	ssyncset.done @!p0 $0x0  }
0x46: {  	[sflag:s0] =	ssyncadd.s32 @!p0 s1  }
0x47: {  	[bflag:$0x3] =	sbarrier.arrive $0xFFFF  }
0x48: {  	_ =	shalt  }

// kernel: kernel.8.cloned.1.call-start
scs
__scs_entry_jumppad:
0x0: {  	(pc) =	sbr.rel $0x88, $3  }
0x1: {  	(tag) =	ssettag $0x0;
	lr =	simm.s32 $0x1  }
0x2: {  	[smem:$0x3F9F] =	sst lr;
	_ =	strace $0xD0000000  }
0x3: {  	_ = 	snop  }
0x4: {  	_ = 	snop  }
0x5: {  	_ = 	snop  }
0x6: {  	_ = 	snop  }
0x7: {  	_ = 	snop  }
__scs_overlays_trampoline_lowered:
0x8: {  	[smem:$0x3FAE] =	sst s0  }
0x9: {  	[smem:$0x3FAF] =	sst s1  }
0xa: {  	[smem:$0x3FB0] =	sst s2  }
0xb: {  	[smem:$0x3FB1] =	sst s3  }
0xc: {  	[smem:$0x3FB2] =	sst s4  }
0xd: {  	[smem:$0x3FB3] =	sst s5  }
0xe: {  	[smem:$0x3FB4] =	sst s6  }
0xf: {  	[smem:$0x3FB5] =	sst s7  }
0x10: {  	[smem:$0x3FB6] =	sst s8  }
0x11: {  	[smem:$0x3FB7] =	sst s9;
	s0 =	simm.s32 @!p0 $0x0  }
0x12: {  	s1 =	sld [smem:$0x3F9D];
	s0 =	simm.s32 @p0 $0x1  }
0x13: {  	[smem:$0x3FB8] =	sst s0;
	s0 =	simm.s32 @!p1 $0x0  }
0x14: {  	s2 =	sld [smem:$0x3F9C];
	s0 =	simm.s32 @p1 $0x1  }
0x15: {  	[smem:$0x3FB9] =	sst s0;
	s0 =	simm.s32 @!p2 $0x0  }
0x16: {  	s3 =	sld [smem:$0x3FDB];
	s0 =	simm.s32 @p2 $0x1  }
0x17: {  	s4 =	simm.s32 $0x1BF5;
	[smem:$0x3FBB] =	sst s0  }
0x18: {  	s0 =	sld [smem:$0x3F9E];
	_ =	swait.ge [sflag:s4], $0x0  }
0x19: {  	s7 =	sld [smem:$0x3F9F]  }
0x1a: {  	s8 =	sadd.s32 $0xFFFFE003, lr  }
0x1b: {  	s9 =	sadd.s32 $0xFFFFFEF7, lr;
	s5 =	simm.s32 $0xFFFFFFFF;
	p2 =	slt.u32 s8, $0xFFFFF086  }
0x1c: {  	p1 =	slt.u32 s9, $0xF7A;
	s5 =	simm.s32 @!p2 $0x0  }
0x1d: {  	s5 =	simm.s32 @p1 $0x1;
	p0 =	seq.s32 s7, s2  }
0x1e: {  	s7 =	smul.u32 @!p0 $0xF7A, s2;
	p2 =	seq.s32 @!p0 s5, $0x0  }
0x1f: {  	s9 =	smul.u32 $0xF7A, s1;
	s8 =	simm.s32 @!p0 $0x1BF5;
	p2 =	por !p2, p0  }
0x20: {  	[sflag:s8] =	ssyncset.s32 @!p0 $0xFFFFF086;
	s6 =	sadd.s32 @!p0 s3, s7;
	s7 =	simm.s32 @!p0 $0x108  }
0x21: {  	s3 =	sadd.s32 s3, s9;
	s6 =	sadd.s32 @!p0 $0x88, s6;
	s7 =	simm.s32 @p2 $0x1082  }
0x22: {  	[simem:s7], [sflag:s8] =	dma.local @!p0 [hbm:s6], $0xF7A  }
0x23: {  	s9 =	sor.u32 $0xD0000000, s2;
	s6 =	simm.s32 $0x108;
	_ =	swait.ge @!p0 [sflag:s8], $0x0  }
0x24: {  	s3 =	sadd.s32 $0x88, s3;
	s6 =	simm.s32 @!p1 $0x1082;
	[sflag:s4] =	ssyncset.s32 $0xFFFFF086  }
0x25: {  	[simem:s6], [sflag:s4] =	dma.local [hbm:s3], $0xF7A  }
0x26: {  	[smem:$0x3F9F] =	sst s1;
	(tag) =	ssettag s2;
	_ =	strace s9  }
0x27: {  	s1 =	sld [smem:$0x3FAF]  }
0x28: {  	s2 =	sld [smem:$0x3FB0]  }
0x29: {  	s4 =	sld [smem:$0x3FB2]  }
0x2a: {  	p0 =	seq.s32 s5, $0x0;
	s5 =	sld [smem:$0x3FB3]  }
0x2b: {  	s6 =	sld [smem:$0x3FB4]  }
0x2c: {  	s7 =	sld [smem:$0x3FB5]  }
0x2d: {  	s3 =	simm.s32 $0x108;
	s8 =	sld [smem:$0x3FB6]  }
0x2e: {  	s3 =	simm.s32 @!p0 $0x1082;
	s9 =	sld [smem:$0x3FB7]  }
0x2f: {  	lr =	sadd.s32 s0, s3;
	s0 =	sld [smem:$0x3FAE]  }
0x30: {  	s3 =	sld [smem:$0x3FB1]  }
0x31: {  	[smem:$0x3FBA] =	sst s10  }
0x32: {  	s10 =	sld [smem:$0x3FB8];
	_ =	sdelay $0x3  }
0x33: {  	p0 =	seq.s32 s10, $0x1;
	s10 =	sld [smem:$0x3FBA];
	_ =	sdelay $0x3  }
0x34: {  	[smem:$0x3FBA] =	sst s10  }
0x35: {  	s10 =	sld [smem:$0x3FB9];
	_ =	sdelay $0x3  }
0x36: {  	p1 =	seq.s32 s10, $0x1;
	s10 =	sld [smem:$0x3FBA];
	_ =	sdelay $0x3  }
0x37: {  	[smem:$0x3FBA] =	sst s10  }
0x38: {  	s10 =	sld [smem:$0x3FBB]  }
0x39: {  	_ = 	snop;
	(pc) =	sbr.ind lr, $3  }
0x3a: {  	_ = 	snop  }
0x3b: {  	_ = 	snop  }
0x3c: {  	p2 =	seq.s32 s10, $0x1;
	s10 =	sld [smem:$0x3FBA]  }
0x3d: {  	_ =	shalt  }
0x3e: {  	_ =	shalt  }
0x3f: {  	_ =	shalt  }
0x40: {  	_ =	shalt  }
0x41: {  	_ =	shalt  }
0x42: {  	_ =	shalt  }
0x43: {  	_ =	shalt  }
0x44: {  	_ =	shalt  }
0x45: {  	_ =	shalt  }
0x46: {  	_ =	shalt  }
0x47: {  	_ =	shalt  }
0x48: {  	_ =	shalt  }
0x49: {  	_ =	shalt  }
0x4a: {  	_ =	shalt  }
0x4b: {  	_ =	shalt  }
0x4c: {  	_ =	shalt  }
0x4d: {  	_ =	shalt  }
0x4e: {  	_ =	shalt  }
0x4f: {  	_ =	shalt  }
0x50: {  	_ =	shalt  }
0x51: {  	_ =	shalt  }
0x52: {  	_ =	shalt  }
0x53: {  	_ =	shalt  }
0x54: {  	_ =	shalt  }
0x55: {  	_ =	shalt  }
0x56: {  	_ =	shalt  }
0x57: {  	_ =	shalt  }
0x58: {  	_ =	shalt  }
0x59: {  	_ =	shalt  }
0x5a: {  	_ =	shalt  }
0x5b: {  	_ =	shalt  }
0x5c: {  	_ =	shalt  }
0x5d: {  	_ =	shalt  }
0x5e: {  	_ =	shalt  }
0x5f: {  	_ =	shalt  }
0x60: {  	_ =	shalt  }
0x61: {  	_ =	shalt  }
0x62: {  	_ =	shalt  }
0x63: {  	_ =	shalt  }
0x64: {  	_ =	shalt  }
0x65: {  	_ =	shalt  }
0x66: {  	_ =	shalt  }
0x67: {  	_ =	shalt  }
0x68: {  	_ =	shalt  }
0x69: {  	_ =	shalt  }
0x6a: {  	_ =	shalt  }
0x6b: {  	_ =	shalt  }
0x6c: {  	_ =	shalt  }
0x6d: {  	_ =	shalt  }
0x6e: {  	_ =	shalt  }
0x6f: {  	_ =	shalt  }
0x70: {  	_ =	shalt  }
0x71: {  	_ =	shalt  }
0x72: {  	_ =	shalt  }
0x73: {  	_ =	shalt  }
0x74: {  	_ =	shalt  }
0x75: {  	_ =	shalt  }
0x76: {  	_ =	shalt  }
0x77: {  	_ =	shalt  }
0x78: {  	_ =	shalt  }
0x79: {  	_ =	shalt  }
0x7a: {  	_ =	shalt  }
0x7b: {  	_ =	shalt  }
0x7c: {  	_ =	shalt  }
0x7d: {  	_ =	shalt  }
0x7e: {  	_ =	shalt  }
0x7f: {  	_ =	shalt  }
0x80: {  	_ =	shalt  }
0x81: {  	_ =	shalt  }
0x82: {  	_ =	shalt  }
0x83: {  	_ =	shalt  }
0x84: {  	_ =	shalt  }
0x85: {  	_ =	shalt  }
0x86: {  	_ =	shalt  }
0x87: {  	_ =	shalt  }
.Lfunc_end0:
.L_simem_size_0:
called_computation_lowered:
.L_overlay_start_0:
0x88: {  	s2 =	sld [smem:$0x3FD9]  }
0x89: {  	s3 =	sld [smem:$0x3FFE];
	_ =	sdelay $0x1  }
0x8a: {  	s1 =	srdreg.scid  }
0x8b: {  	s0 =	sand.u32 $0x1, s1  }
0x8c: {  	s14 =	sshll.u32 s0, $0xA;
	s2 =	sadd.s32 s3, s2  }
0x8d: {  	s2 =	sadd.s32 s2, s14  }
0x8e: {  	[smem:$0x3FC6] =	sst s2  }
0x8f: {  	_ = 	snop  }
0x90: {  	s2 =	sld [smem:$0x3FD0];
	_ =	sdelay $0x2  }
0x91: {  	s15 =	simm.s32 $0xB;
	s4 =	simm.s32 $0x10  }
0x92: {  	[smem:s4], [sflag:s15] =	dma.local [hbm:s2], $0x1  }
0x93: {  	_ =	swait.eq [sflag:s15], $0x1  }
0x94: {  	[sflag:s15] =	ssyncset.done $0x0  }
0x95: {  	[sflag:s15] =	ssyncadd.s32 $0xFFFFFFFF  }
0x96: {  	s16 =	sld [smem:$0x11];
	(tm) =	ssettm $0x1  }
0x97: {  	s17 =	sld [smem:$0x3FFB];
	_ =	sdelay $0x3  }
0x98: {  	_ =	strace s17  }
0x99: {  	s3 =	sld [smem:$0x3FFC];
	_ =	sdelay $0x3  }
0x9a: {  	_ =	strace s3  }
0x9b: {  	s3 =	sld [smem:$0x3FFD];
	_ =	sdelay $0x3  }
0x9c: {  	_ =	strace s3  }
0x9d: {  	_ =	strace $0x8FFFFFFF  }
0x9e: {  	s18 =	sld [smem:$0x3FDB];
	_ =	sdelay $0x1  }
0x9f: {  	s19 =	simm.s32 $_scs_section_size  }
0xa0: {  	s5 =	simm.s32 $_size__tile_overlayer_lowered;
	s6 =	simm.s32 $_tile_overlayer_lowered  }
0xa1: {  	s22 =	simm.s32 $0x1BFF;
	s21 =	sshll.u32 s6, $0x1;
	s3 =	sadd.s32 s19, s18  }
0xa2: {  	s7 =	simm.s32 $0x0;
	s20 =	sshll.u32 s5, $0x1;
	s5 =	sadd.s32 s21, s3  }
0xa3: {  	[timem:s7], [sflag:s22] =	dma.local [hbm:s5], s20  }
0xa4: {  	_ =	swait.ge [sflag:s22], s20  }
0xa5: {  	s4 =	ssub.s32 $0x0, s20;
	[sflag:s22] =	ssyncset.done $0x0  }
0xa6: {  	[sflag:s22] =	ssyncadd.s32 s4;
	_ =	sdelay $0x1  }
0xa7: {  	s23 =	simm.s32 $0x1B8B  }
0xa8: {  	_ =	swait.ge [sflag:s23], $0x1  }
0xa9: {  	[sflag:s23] =	ssyncset.done $0x0  }
0xaa: {  	s25 =	simm.s32 $0x1B8E;
	s24 =	sld [smem:$0x3FFE];
	[sflag:s23] =	ssyncadd.s32 $0xFFFFFFFF  }
0xab: {  	s26 =	simm.s32 $execute0_lowered;
	[smem:$0x3FD2] =	sst s25  }
0xac: {  	s5 =	sshll.u32 s26, $0x1;
	_ =	strace $0x80000046;
	[dreg:$0x1] =	wrdreg $0xFFFFFFFF  }
0xad: {  	s28 =	simm.s32 $_size_execute0_lowered;
	s3 =	sadd.s32 s3, s5;
	[dreg:$0x0] =	wrdreg $0x0  }
0xae: {  	s5 =	sshll.u32 s28, $0x1;
	[dreg:$0x2] =	wrdreg s3  }
0xaf: {  	[dreg:$0x3] =	wrdreg s5  }
0xb0: {  	[dreg:$0x4] =	wrdreg $0xC0  }
0xb1: {  	_ =	task [dreg:s7], $0x5FFFF  }
0xb2: {  	[dreg:$0x1] =	wrdreg $0xFFFFFFFF  }
0xb3: {  	[dreg:$0x0] =	wrdreg $0x60  }
0xb4: {  	[dreg:$0x2] =	wrdreg s24  }
0xb5: {  	[dreg:$0x3] =	wrdreg s16  }
0xb6: {  	[dreg:$0x4] =	wrdreg $0x9  }
0xb7: {  	_ =	task.clear_ibuf [dreg:s7], $0x5FFFF;
	_ =	strace $0x90000046  }
0xb8: {  	s29 =	simm.s32 $0x9;
	_ =	strace $0x80000048  }
0xb9: {  	_ =	swait.ge [sflag:s29], $0x1  }
0xba: {  	[sflag:s29] =	ssyncadd.s32 $0xFFFFFFFF  }
0xbb: {  	_ =	strace $0x90000048  }
0xbc: {  	_ =	sfence  }
0xbd: {  	s30 =	sld [smem:$0x0];
	_ =	sdelay $0x2  }
0xbe: {  	s31 =	sshll.u32 s1, $0xD;
	s1 =	sshrl.u32 s1, $0x2  }
0xbf: {  	s3 =	sand.u32 $0x4000, s31;
	s1 =	sadd.s32 s1, s30  }
0xc0: {  	s0 =	sor.u32 s3, s0;
	s1 =	sshll.u32 s1, $0x11  }
0xc1: {  	s0 =	sor.u32 s1, s0  }
0xc2: {  	s0 =	sadd.s32 $0x8F2B, s0  }
0xc3: {  	[sflag:s0] =	ssyncadd.remote.s32 $0x1  }
0xc4: {  	_ =	sfence.sel $0xFFFF  }
0xc5: {  	[dreg:$0x0] =	wrdreg $0xFFFFFFFF;
	(pc) =	sbr.abs _section_cstart, $3  }
0xc6: {  	[dreg:$0x1] =	wrdreg $0xFFFFFFFF  }
0xc7: {  	_ =	task.clear_ibuf [dreg:s7], $0x2FFFF;
	_ =	strace $0x9FFFFFFF  }
0xc8: {  	(tm) =	ssettm $0x7FFFFFFF  }
0xc9: {  	_ =	shalt  }
tec
execute0_lowered:
.L_overlay_start_1:
0x0: {  	(tag) =	ssettag $0x1  }
0x1: {  	s1 =	srdreg.scid;
	s0 =	stileid.u32  }
0x2: {  	s13 =	sand.u32 $0x1, s1;
	s28 =	sshll.u32 s0, $0x1  }
0x3: {  	s12 =	rddreg [dreg:$0x0];
	s14 =	sor.u32 s13, s28  }
0x4: {  	s5 =	rddreg [dreg:$0x1];
	s6 =	smul.u32 $0x140, s14  }
0x5: {  	s2 =	simm.s32 $0x0;
	s1 =	rddreg [dreg:$0x2]  }
0x6: {  	[smem:$0x7FF] =	sst s2;
	s3 =	sshrl.u32 s6, $0x3  }
0x7: {  	_ =	strace $0x80000047;
	s4 =	sadd.s32 s5, s3;
	s3 =	simm.s32 $0x3  }
0x8: {  	[tilespmem:s2], [sflag:$0x3] =	stream.linear.gather [hbm4b:s4+s2], $0xA0, $0x38;
	[tilespmem:$0xA200] =	vst v63  }
0x9: {  	s15 =	sadd.s32 $0xA0, s6;
	_ =	swait.ge [sflag:s3], $0xA0  }
0xa: {  	s6 =	sshrl.u32 s15, $0x3;
	[sflag:s3] =	ssyncset.done $0x0  }
0xb: {  	s5 =	sadd.s32 s5, s6;
	s6 =	simm.s32 $0x100;
	[sflag:s3] =	ssyncadd.s32 $0xFFFFFF60  }
0xc: {  	[tilespmem:s6], [sflag:$0x3] =	stream.linear.gather [hbm4b:s5+s2], $0xA0, $0x38;
	[tilespmem:$0xA200] =	vst v63  }
0xd: {  	_ =	swait.ge [sflag:s3], $0xA0  }
0xe: {  	s8 =	simm.s32 $0xA0;
	[sflag:s3] =	ssyncset.done $0x0  }
0xf: {  	s9 =	simm.s32 $0x200;
	s7 =	sadd.s32 $0x1000, s12;
	[sflag:s3] =	ssyncadd.s32 $0xFFFFFF60  }
0x10: {  	[tilespmem:s9], [sflag:$0x1] =	stream.indirect.gather [hbm4b:s7+s8], $0x80, s2, s8, $0xb8;
	[tilespmem:$0xA200] =	vst v63  }
0x11: {  	s10 =	simm.s32 $0x5200;
	s11 =	simm.s32 $0x1  }
0x12: {  	[tilespmem:s10], [sflag:$0x2] =	stream.indirect.gather [hbm4b:s7+s8], $0x80, s6, s8, $0xb8;
	[tilespmem:$0xA200] =	vst v63  }
0x13: {  	s14 =	smul.u32 $0x1400, s14;
	_ =	swait.ge [sflag:s11], $0x5000  }
0x14: {  	s16 =	sadd.s32 $0x5000, s12;
	[sflag:s11] =	ssyncset.done $0x0  }
0x15: {  	s29 =	ssub.s32 $0x2, s13;
	s12 =	sadd.s32 s16, s14;
	[sflag:s11] =	ssyncadd.s32 $0xFFFFB000  }
0x16: {  	[hbm4b:s12+s2] =	stream.linear.scatter [tilespmem:s9], [sflag:$0x3], $0x5000, $0x38;
	[tilespmem:$0xA200] =	vst v63  }
0x17: {  	s17 =	sshrl.u32 s29, $0x1;
	_ =	swait.ge [sflag:s3], $0x5000  }
0x18: {  	s17 =	ssub.s32 s29, s17;
	[sflag:s3] =	ssyncset.done $0x0  }
0x19: {  	s13 =	simm.s32 $0x2;
	s31 =	smax.u32 s17, $0x1;
	[sflag:s3] =	ssyncadd.s32 $0xFFFFB000  }
0x1a: {  	p0 =	sne.s32 s31, $0x1;
	_ =	swait.ge [sflag:s13], $0x5000  }
.Ltmp0:
0x1b: {  	s30 =	sshll.u32 s15, $0x4;
	[sflag:s13] =	ssyncset.done $0x0;
	(pc) =	sbr.rel @!p0 .LBB2_2-.Ltmp0, $4  }
0x1c: {  	s14 =	sadd.s32 s16, s30;
	[sflag:s13] =	ssyncadd.s32 $0xFFFFB000  }
0x1d: {  	[hbm4b:s14+s2] =	stream.linear.scatter [tilespmem:s10], [sflag:$0x3], $0x5000, $0x38;
	[tilespmem:$0xA200] =	vst v63  }
0x1e: {  	_ =	swait.ge [sflag:s3], $0x5000  }
0x1f: {  	s15 =	sadd.s32 $0xFFFFFFFF, s31;
	[sflag:s3] =	ssyncset.done $0x0  }
.LBB2_1:
0x20: {  	p0 =	sne.s32 s15, $0x1;
	s15 =	sadd.s32 $0xFFFFFFFF, s15;
	[sflag:s3] =	ssyncadd.s32 $0xFFFFB000  }
0x21: {  	[tilespmem:s2], [sflag:$0x3] =	stream.linear.gather [hbm4b:s4+s2], $0xA0, $0x38;
	[tilespmem:$0xA200] =	vst v63  }
0x22: {  	_ =	swait.ge [sflag:s3], $0xA0  }
0x23: {  	[sflag:s3] =	ssyncset.done $0x0  }
0x24: {  	[sflag:s3] =	ssyncadd.s32 $0xFFFFFF60  }
0x25: {  	[tilespmem:s6], [sflag:$0x3] =	stream.linear.gather [hbm4b:s5+s2], $0xA0, $0x38;
	[tilespmem:$0xA200] =	vst v63  }
0x26: {  	_ =	swait.ge [sflag:s3], $0xA0  }
0x27: {  	[sflag:s3] =	ssyncset.done $0x0  }
0x28: {  	[sflag:s3] =	ssyncadd.s32 $0xFFFFFF60  }
0x29: {  	[tilespmem:s9], [sflag:$0x1] =	stream.indirect.gather [hbm4b:s7+s8], $0x80, s2, s8, $0xb8;
	[tilespmem:$0xA200] =	vst v63  }
0x2a: {  	_ = 	snop  }
0x2b: {  	[tilespmem:s10], [sflag:$0x2] =	stream.indirect.gather [hbm4b:s7+s8], $0x80, s6, s8, $0xb8;
	[tilespmem:$0xA200] =	vst v63  }
0x2c: {  	_ =	swait.ge [sflag:s11], $0x5000  }
0x2d: {  	[sflag:s11] =	ssyncset.done $0x0  }
0x2e: {  	[sflag:s11] =	ssyncadd.s32 $0xFFFFB000  }
0x2f: {  	[hbm4b:s12+s2] =	stream.linear.scatter [tilespmem:s9], [sflag:$0x3], $0x5000, $0x38;
	[tilespmem:$0xA200] =	vst v63  }
0x30: {  	_ =	swait.ge [sflag:s3], $0x5000  }
0x31: {  	[sflag:s3] =	ssyncset.done $0x0  }
0x32: {  	[sflag:s3] =	ssyncadd.s32 $0xFFFFB000  }
0x33: {  	_ =	swait.ge [sflag:s13], $0x5000  }
.Ltmp1:
0x34: {  	[sflag:s13] =	ssyncset.done $0x0;
	(pc) =	sbr.rel @p0 .LBB2_1-.Ltmp1, $4  }
0x35: {  	[sflag:s13] =	ssyncadd.s32 $0xFFFFB000  }
0x36: {  	[hbm4b:s14+s2] =	stream.linear.scatter [tilespmem:s10], [sflag:$0x3], $0x5000, $0x38;
	[tilespmem:$0xA200] =	vst v63  }
0x37: {  	_ =	swait.ge [sflag:s3], $0x5000  }
0x38: {  	[sflag:s3] =	ssyncset.done $0x0  }
.LBB2_2:
0x39: {  	[sflag:s3] =	ssyncadd.s32 $0xFFFFB000  }
0x3a: {  	_ =	sfence.sel $0x180000  }
0x3b: {  	[bflag:$0x0] =	sbarrier.arrive $0xFFFF  }
0x3c: {  	p0 =	sne.s32 s0, $0x0;
	_ =	strace $0x90000047  }
0x3d: {  	s0 =	sadd.s32 @!p0 $0x100000, s1;
	[bflag:$0x2] =	sbarrier.arrive $0xFFFF  }
0x3e: {  	[sflag:s0] =	ssyncadd.tile.s32 @!p0 $0x1;
	_ =	shalt  }
.Lfunc_end2:
_tile_overlayer_lowered:
.L_overlay_start_2:
0x3f: {  	(tag) =	ssettag $0x2  }
0x40: {  	s0 =	rddreg [dreg:$0x0];
	s2 =	stileid.u32  }
0x41: {  	s1 =	rddreg [dreg:$0x1];
	p0 =	sne.s32 s2, $0x0  }
0x42: {  	s3 =	rddreg [dreg:$0x2];
	[bflag:$0x3] =	sbarrier.arrive $0xFFFF;
	s2 =	simm.s32 @!p0 $0x1C03  }
0x43: {  	[timem:s3], [sflag:s2] =	dma.local @!p0 [hbm:s0], s1  }
0x44: {  	s0 =	simm.s32 @!p0 $0x3  }
0x45: {  	_ =	swait.ge @!p0 [sflag:s0], s1  }
0x46: {  	s1 =	ssub.s32 @!p0 $0x0, s1;
	[sflag:s0] =	ssyncset.done @!p0 $0x0  }
0x47: {  	[sflag:s0] =	ssyncadd.s32 @!p0 s1  }
0x48: {  	[bflag:$0x3] =	sbarrier.arrive $0xFFFF  }
0x49: {  	_ =	shalt  }

</sc_bundles>
